<compile_context>
chip_gen: v7x
topology: tpu7x:2x2x1
jax: 0.10.2.dev20260603
libtpu: 0.0.44.dev20260713+nightly
codegen_flags: <defaults>
</compile_context>

<pallas_src>
import jax
import jax.numpy as jnp
from jax import lax
from jax.experimental import pallas as pl
from jax.experimental.pallas import tpu as pltpu
from jax.experimental.pallas import tpu_sc as plsc

_L = 16
_NC, _NS = 2, 16
_NW = _NC * _NS
_CR = 8
_UNROLL = 4
_NACC = 4

_NBUF = 2
_SC_ROWS = 6656
_TC_BLK = 512



def _accum_chunk(ncols, pbuf, tbuf, acc):
    def row_loop(r, acc):
        def inner(k, acc):
            accl = list(acc)
            for u in range(_UNROLL):
                off = (k * _UNROLL + u) * _L
                p = pbuf[r, pl.ds(off, _L)]
                t = tbuf[r, pl.ds(off, _L)]
                m0 = t == 0.0
                d = jnp.where(m0, 0.0, p - t)
                a = u % _NACC
                accl[a] = accl[a] + d * d
                accl[_NACC + a] = accl[_NACC + a] + jnp.where(m0, 1.0, 0.0)
            return tuple(accl)

        return lax.fori_loop(0, ncols // _L // _UNROLL, inner, acc)

    return lax.fori_loop(0, _CR, row_loop, acc)


def _make_sc_body(row0, rows_per_w, ncols, nchunk):
    def body(p_hbm, t_hbm, out_hbm, *scratch):
        pbufs = scratch[:_NBUF]
        tbufs = scratch[_NBUF:2 * _NBUF]
        ob = scratch[2 * _NBUF]
        sems = scratch[2 * _NBUF + 1:]
        wid = lax.axis_index("s") * _NC + lax.axis_index("c")
        base = row0 + wid * rows_per_w
        bufs = tuple((pbufs[b], tbufs[b], sems[b]) for b in range(_NBUF))

        def start(i, pbuf, tbuf, sem):
            row = base + i * _CR
            pltpu.make_async_copy(p_hbm.at[pl.ds(row, _CR), :], pbuf, sem).start()
            pltpu.make_async_copy(t_hbm.at[pl.ds(row, _CR), :], tbuf, sem).start()

        def wait(i, pbuf, tbuf, sem):
            row = base + i * _CR
            pltpu.make_async_copy(p_hbm.at[pl.ds(row, _CR), :], pbuf, sem).wait()
            pltpu.make_async_copy(t_hbm.at[pl.ds(row, _CR), :], tbuf, sem).wait()

        for b in range(_NBUF):
            start(b, *bufs[b])
        acc = tuple(jnp.zeros((_L,), jnp.float32) for _ in range(2 * _NACC))

        def outer(q, acc):
            i0 = _NBUF * q
            for b in range(_NBUF):
                wait(i0 + b, *bufs[b])
                acc = _accum_chunk(ncols, bufs[b][0], bufs[b][1], acc)
                start(i0 + b + _NBUF, *bufs[b])
            return acc

        acc = lax.fori_loop(0, nchunk // _NBUF - 1, outer, acc)
        for b in range(_NBUF):
            wait(nchunk - _NBUF + b, *bufs[b])
            acc = _accum_chunk(ncols, bufs[b][0], bufs[b][1], acc)

        s = (acc[0] + acc[1]) + (acc[2] + acc[3])
        nzero = (acc[4] + acc[5]) + (acc[6] + acc[7])
        ob[pl.ds(0, _L)] = s
        ob[pl.ds(_L, _L)] = nzero
        pltpu.sync_copy(ob, out_hbm.at[pl.ds(wid * 2 * _L, 2 * _L)])

    return body


def _sc_partials(y_pred, y_true, row0, nrows_sc):
    ncols = y_pred.shape[1]
    rows_per_w = nrows_sc // _NW
    nchunk = rows_per_w // _CR
    f = pl.kernel(
        _make_sc_body(row0, rows_per_w, ncols, nchunk),
        out_type=jax.ShapeDtypeStruct((_NW * 2 * _L,), jnp.float32),
        mesh=plsc.VectorSubcoreMesh(core_axis_name="c", subcore_axis_name="s"),
        scratch_types=(
            [pltpu.VMEM((_CR, ncols), jnp.float32) for _ in range(2 * _NBUF)]
            + [pltpu.VMEM((2 * _L,), jnp.float32)]
            + [pltpu.SemaphoreType.DMA for _ in range(_NBUF)]
        ),
    )
    return f(y_pred, y_true)



def _tc_body(nblocks, p_ref, t_ref, out_ref, acc_ref):
    i = pl.program_id(0)

    @pl.when(i == 0)
    def _init():
        acc_ref[0, 0] = 0.0
        acc_ref[0, 1] = 0.0

    p = p_ref[...]
    t = t_ref[...]
    mask = t != 0.0
    d = jnp.where(mask, p - t, 0.0)
    acc_ref[0, 0] += jnp.sum(d * d)
    acc_ref[0, 1] += jnp.sum(mask.astype(jnp.float32))

    @pl.when(i == nblocks - 1)
    def _fin():
        out_ref[0, 0] = acc_ref[0, 0]
        out_ref[0, 1] = acc_ref[0, 1]


def _tc_partials(y_pred, y_true, nrows_tc):
    ncols = y_pred.shape[1]
    nblocks = nrows_tc // _TC_BLK
    return pl.pallas_call(
        lambda p, t, o, a: _tc_body(nblocks, p, t, o, a),
        grid=(nblocks,),
        in_specs=[
            pl.BlockSpec((_TC_BLK, ncols), lambda i: (i, 0)),
            pl.BlockSpec((_TC_BLK, ncols), lambda i: (i, 0)),
        ],
        out_specs=pl.BlockSpec(memory_space=pltpu.SMEM),
        out_shape=jax.ShapeDtypeStruct((1, 2), jnp.float32),
        scratch_shapes=[pltpu.SMEM((1, 2), jnp.float32)],
    )(y_pred, y_true)


def kernel(y_pred, y_true):
    nrows, ncols = y_pred.shape
    nrows_tc = nrows - _SC_ROWS

    tc_out = _tc_partials(y_pred, y_true, nrows_tc)
    sc_out = _sc_partials(y_pred, y_true, nrows_tc, _SC_ROWS)

    r = sc_out.reshape(_NW, 2, _L)
    ssum = jnp.sum(r[:, 0, :]) + tc_out[0, 0]
    sc_cnt = float(_SC_ROWS * ncols) - jnp.sum(r[:, 1, :])
    cnt = sc_cnt + tc_out[0, 1]
    return jnp.where(cnt > 0.0, ssum / jnp.maximum(cnt, 1.0), 0.0)

# --- scband reference (transcript-rebuilt; emitter-appended) ---
"""Pipeline reference for scband-masked-loss-52123723105144 (READ-ONLY COPY).

The authoritative reference and input builder live on the scoring server;
editing this copy changes nothing except your own understanding.
"""

import jax, jax.numpy as jnp
import numpy as np

N, D = 16384, 2048

def setup_inputs(seed: int = 0) -> dict:
    key = jax.random.key(seed)
    k1, k2, k3 = jax.random.split(key, 3)
    y_pred = jax.random.normal(k1, (N, D), dtype=jnp.float32)
    y_true = jax.random.normal(k2, (N, D), dtype=jnp.float32)
    # emulate padded labels: ~30% of token rows are entirely zero -> masked out
    row_keep = (jax.random.uniform(k3, (N, 1)) < 0.7).astype(jnp.float32)
    y_true = y_true * row_keep
    return {"y_pred": y_pred, "y_true": y_true}

def reference(y_pred, y_true):
    # MaskedLoss with keep_dim=1 on 2D tensors: keep_dim == last dim -> no transpose.
    # masking_fun (set at runtime): keep elements where y_true != 0.
    # Rows are either fully zero (padding) or fully nonzero, so boolean selection
    # followed by reshape(-1, D) keeps whole rows; wrapped_loss = MSE (mean reduction).
    # Equivalent static-shape formulation: mean of (pred-true)^2 over masked elements.
    binary_mask = (y_true != 0)
    maskf = binary_mask.astype(jnp.float32)
    masked_y_true = y_true * maskf
    masked_y_pred = y_pred * maskf
    diff = masked_y_pred - masked_y_true
    cnt = jnp.sum(maskf)
    loss = jnp.where(cnt > 0, jnp.sum(diff * diff) / jnp.maximum(cnt, 1.0), 0.0)
    return loss

if __name__ == "__main__":
    import jax
    _d = setup_inputs()
    print(jax.jit(kernel)(*tuple(_d.values())))

</pallas_src>

<mosaic_0001>
#map = affine_map<(d0, d1) -> (0, 0)>
#map1 = affine_map<(d0, d1) -> (0)>
module attributes {stable_mosaic.version = 14 : i64} {
  func.func @body(%arg0: i32, %arg1: i32, %arg2: memref<16384x2048xf32, #tpu.memory_space<hbm>>, %arg3: memref<16384x2048xf32, #tpu.memory_space<hbm>>, %arg4: memref<1024xf32, #tpu.memory_space<hbm>>, %arg5: memref<8x2048xf32, #tpu.memory_space<vmem>>, %arg6: memref<8x2048xf32, #tpu.memory_space<vmem>>, %arg7: memref<8x2048xf32, #tpu.memory_space<vmem>>, %arg8: memref<8x2048xf32, #tpu.memory_space<vmem>>, %arg9: memref<32xf32, #tpu.memory_space<vmem>>, %arg10: memref<!tpu.dma_semaphore, #tpu.memory_space<semaphore_mem>>, %arg11: memref<!tpu.dma_semaphore, #tpu.memory_space<semaphore_mem>>) attributes {dimension_semantics = [#tpu.dimension_semantics<core_parallel>, #tpu.dimension_semantics<subcore_parallel>], iteration_bounds = array<i64: 2, 16>, scalar_prefetch = 0 : i64, scratch_operands = 7 : i64, tpu.core_type = #tpu.core_type<sc_vector_subcore>, window_params = [{transform_indices = #map}, {transform_indices = #map}, {transform_indices = #map1}]} {
    %mul3A = arith.constant 2 : i32
    %mul3A_0 = arith.muli %arg1, %mul3A : i32
    %add3A = arith.addi %mul3A_0, %arg0 : i32
    %mul3A_1 = arith.constant 208 : i32
    %mul3A_2 = arith.muli %add3A, %mul3A_1 : i32
    %add3A_3 = arith.constant 9728 : i32
    %add3A_4 = arith.addi %add3A_3, %mul3A_2 : i32
    %add3A_5 = arith.constant 0 : i32
    %add3A_6 = arith.addi %add3A_4, %add3A_5 : i32
    %dma_start3A = arith.constant 0 : i32
    %dma_start3A_7 = tpu.memref_slice %arg2[%add3A_6, %dma_start3A] : memref<16384x2048xf32, #tpu.memory_space<hbm>> -> memref<8x2048xf32, #tpu.memory_space<hbm>>
    %dma_start3A_8 = arith.constant 0 : i32
    %dma_start3A_9 = tpu.memref_slice %arg2[%add3A_6, %dma_start3A_8] : memref<16384x2048xf32, #tpu.memory_space<hbm>> -> memref<8x2048xf32, #tpu.memory_space<hbm>>
    tpu.enqueue_dma source(%dma_start3A_9 : memref<8x2048xf32, #tpu.memory_space<hbm>>) target(%arg5 : memref<8x2048xf32, #tpu.memory_space<vmem>>) target_semaphore(%arg10 : memref<!tpu.dma_semaphore, #tpu.memory_space<semaphore_mem>>)
    %dma_start3A_10 = arith.constant 0 : i32
    %dma_start3A_11 = tpu.memref_slice %arg3[%add3A_6, %dma_start3A_10] : memref<16384x2048xf32, #tpu.memory_space<hbm>> -> memref<8x2048xf32, #tpu.memory_space<hbm>>
    %dma_start3A_12 = arith.constant 0 : i32
    %dma_start3A_13 = tpu.memref_slice %arg3[%add3A_6, %dma_start3A_12] : memref<16384x2048xf32, #tpu.memory_space<hbm>> -> memref<8x2048xf32, #tpu.memory_space<hbm>>
    tpu.enqueue_dma source(%dma_start3A_13 : memref<8x2048xf32, #tpu.memory_space<hbm>>) target(%arg7 : memref<8x2048xf32, #tpu.memory_space<vmem>>) target_semaphore(%arg10 : memref<!tpu.dma_semaphore, #tpu.memory_space<semaphore_mem>>)
    %add3A_14 = arith.constant 8 : i32
    %add3A_15 = arith.addi %add3A_4, %add3A_14 : i32
    %dma_start3A_16 = arith.constant 0 : i32
    %dma_start3A_17 = tpu.memref_slice %arg2[%add3A_15, %dma_start3A_16] : memref<16384x2048xf32, #tpu.memory_space<hbm>> -> memref<8x2048xf32, #tpu.memory_space<hbm>>
    %dma_start3A_18 = arith.constant 0 : i32
    %dma_start3A_19 = tpu.memref_slice %arg2[%add3A_15, %dma_start3A_18] : memref<16384x2048xf32, #tpu.memory_space<hbm>> -> memref<8x2048xf32, #tpu.memory_space<hbm>>
    tpu.enqueue_dma source(%dma_start3A_19 : memref<8x2048xf32, #tpu.memory_space<hbm>>) target(%arg6 : memref<8x2048xf32, #tpu.memory_space<vmem>>) target_semaphore(%arg11 : memref<!tpu.dma_semaphore, #tpu.memory_space<semaphore_mem>>)
    %dma_start3A_20 = arith.constant 0 : i32
    %dma_start3A_21 = tpu.memref_slice %arg3[%add3A_15, %dma_start3A_20] : memref<16384x2048xf32, #tpu.memory_space<hbm>> -> memref<8x2048xf32, #tpu.memory_space<hbm>>
    %dma_start3A_22 = arith.constant 0 : i32
    %dma_start3A_23 = tpu.memref_slice %arg3[%add3A_15, %dma_start3A_22] : memref<16384x2048xf32, #tpu.memory_space<hbm>> -> memref<8x2048xf32, #tpu.memory_space<hbm>>
    tpu.enqueue_dma source(%dma_start3A_23 : memref<8x2048xf32, #tpu.memory_space<hbm>>) target(%arg8 : memref<8x2048xf32, #tpu.memory_space<vmem>>) target_semaphore(%arg11 : memref<!tpu.dma_semaphore, #tpu.memory_space<semaphore_mem>>)
    %broadcast_in_dim3A = arith.constant 0.000000e+00 : f32
    %broadcast_in_dim3A_24 = vector.broadcast %broadcast_in_dim3A : f32 to vector<16xf32>
    %broadcast_in_dim3A_25 = arith.constant 0.000000e+00 : f32
    %broadcast_in_dim3A_26 = vector.broadcast %broadcast_in_dim3A_25 : f32 to vector<16xf32>
    %broadcast_in_dim3A_27 = arith.constant 0.000000e+00 : f32
    %broadcast_in_dim3A_28 = vector.broadcast %broadcast_in_dim3A_27 : f32 to vector<16xf32>
    %broadcast_in_dim3A_29 = arith.constant 0.000000e+00 : f32
    %broadcast_in_dim3A_30 = vector.broadcast %broadcast_in_dim3A_29 : f32 to vector<16xf32>
    %broadcast_in_dim3A_31 = arith.constant 0.000000e+00 : f32
    %broadcast_in_dim3A_32 = vector.broadcast %broadcast_in_dim3A_31 : f32 to vector<16xf32>
    %broadcast_in_dim3A_33 = arith.constant 0.000000e+00 : f32
    %broadcast_in_dim3A_34 = vector.broadcast %broadcast_in_dim3A_33 : f32 to vector<16xf32>
    %broadcast_in_dim3A_35 = arith.constant 0.000000e+00 : f32
    %broadcast_in_dim3A_36 = vector.broadcast %broadcast_in_dim3A_35 : f32 to vector<16xf32>
    %broadcast_in_dim3A_37 = arith.constant 0.000000e+00 : f32
    %broadcast_in_dim3A_38 = vector.broadcast %broadcast_in_dim3A_37 : f32 to vector<16xf32>
    %scan3A = arith.constant 0 : i32
    %scan3A_39 = arith.constant 12 : i32
    %scan3A_40 = arith.addi %scan3A, %scan3A_39 : i32
    %scan3A_41 = arith.constant 1 : i32
    %scan3A_42:8 = scf.for %scan3A_92 = %scan3A to %scan3A_40 step %scan3A_41 iter_args(%scan3A_93 = %broadcast_in_dim3A_24, %scan3A_94 = %broadcast_in_dim3A_26, %scan3A_95 = %broadcast_in_dim3A_28, %scan3A_96 = %broadcast_in_dim3A_30, %scan3A_97 = %broadcast_in_dim3A_32, %scan3A_98 = %broadcast_in_dim3A_34, %scan3A_99 = %broadcast_in_dim3A_36, %scan3A_100 = %broadcast_in_dim3A_38) -> (vector<16xf32>, vector<16xf32>, vector<16xf32>, vector<16xf32>, vector<16xf32>, vector<16xf32>, vector<16xf32>, vector<16xf32>)  : i32 {
      %mul3A_101 = arith.constant 2 : i32
      %mul3A_102 = arith.muli %mul3A_101, %scan3A_92 : i32
      %add3A_103 = arith.constant 0 : i32
      %add3A_104 = arith.addi %mul3A_102, %add3A_103 : i32
      %mul3A_105 = arith.constant 8 : i32
      %mul3A_106 = arith.muli %add3A_104, %mul3A_105 : i32
      %add3A_107 = arith.addi %add3A_4, %mul3A_106 : i32
      %dma_wait3A_108 = arith.constant 0 : i32
      %dma_wait3A_109 = tpu.memref_slice %arg2[%add3A_107, %dma_wait3A_108] : memref<16384x2048xf32, #tpu.memory_space<hbm>> -> memref<8x2048xf32, #tpu.memory_space<hbm>>
      %dma_wait3A_110 = arith.constant 0 : i32
      %dma_wait3A_111 = tpu.memref_slice %arg2[%add3A_107, %dma_wait3A_110] : memref<16384x2048xf32, #tpu.memory_space<hbm>> -> memref<8x2048xf32, #tpu.memory_space<hbm>>
      tpu.wait_dma2 semaphore(%arg10 : memref<!tpu.dma_semaphore, #tpu.memory_space<semaphore_mem>>) src(%dma_wait3A_111 : memref<8x2048xf32, #tpu.memory_space<hbm>>) dst(%arg5 : memref<8x2048xf32, #tpu.memory_space<vmem>>)
      %dma_wait3A_112 = arith.constant 0 : i32
      %dma_wait3A_113 = tpu.memref_slice %arg3[%add3A_107, %dma_wait3A_112] : memref<16384x2048xf32, #tpu.memory_space<hbm>> -> memref<8x2048xf32, #tpu.memory_space<hbm>>
      %dma_wait3A_114 = arith.constant 0 : i32
      %dma_wait3A_115 = tpu.memref_slice %arg3[%add3A_107, %dma_wait3A_114] : memref<16384x2048xf32, #tpu.memory_space<hbm>> -> memref<8x2048xf32, #tpu.memory_space<hbm>>
      tpu.wait_dma2 semaphore(%arg10 : memref<!tpu.dma_semaphore, #tpu.memory_space<semaphore_mem>>) src(%dma_wait3A_115 : memref<8x2048xf32, #tpu.memory_space<hbm>>) dst(%arg7 : memref<8x2048xf32, #tpu.memory_space<vmem>>)
      %scan3A_116 = arith.constant 0 : i32
      %scan3A_117 = arith.constant 8 : i32
      %scan3A_118 = arith.addi %scan3A_116, %scan3A_117 : i32
      %scan3A_119 = arith.constant 1 : i32
      %scan3A_120:8 = scf.for %scan3A_171 = %scan3A_116 to %scan3A_118 step %scan3A_119 iter_args(%scan3A_172 = %scan3A_93, %scan3A_173 = %scan3A_94, %scan3A_174 = %scan3A_95, %scan3A_175 = %scan3A_96, %scan3A_176 = %scan3A_97, %scan3A_177 = %scan3A_98, %scan3A_178 = %scan3A_99, %scan3A_179 = %scan3A_100) -> (vector<16xf32>, vector<16xf32>, vector<16xf32>, vector<16xf32>, vector<16xf32>, vector<16xf32>, vector<16xf32>, vector<16xf32>)  : i32 {
        %scan3A_180 = arith.constant 0 : i32
        %scan3A_181 = arith.constant 32 : i32
        %scan3A_182 = arith.addi %scan3A_180, %scan3A_181 : i32
        %scan3A_183 = arith.constant 1 : i32
        %scan3A_184:8 = scf.for %scan3A_186 = %scan3A_180 to %scan3A_182 step %scan3A_183 iter_args(%scan3A_187 = %scan3A_172, %scan3A_188 = %scan3A_173, %scan3A_189 = %scan3A_174, %scan3A_190 = %scan3A_175, %scan3A_191 = %scan3A_176, %scan3A_192 = %scan3A_177, %scan3A_193 = %scan3A_178, %scan3A_194 = %scan3A_179) -> (vector<16xf32>, vector<16xf32>, vector<16xf32>, vector<16xf32>, vector<16xf32>, vector<16xf32>, vector<16xf32>, vector<16xf32>)  : i32 {
          %mul3A_195 = arith.constant 4 : i32
          %mul3A_196 = arith.muli %scan3A_186, %mul3A_195 : i32
          %add3A_197 = arith.constant 0 : i32
          %add3A_198 = arith.addi %mul3A_196, %add3A_197 : i32
          %mul3A_199 = arith.constant 16 : i32
          %mul3A_200 = arith.muli %add3A_198, %mul3A_199 : i32
          %get3A = arith.index_cast %scan3A_171 : i32 to index
          %get3A_201 = arith.index_cast %mul3A_200 : i32 to index
          %get3A_202 = tpu.vector_load %arg5[%get3A, %get3A_201] {strides = array<i32>} : memref<8x2048xf32, #tpu.memory_space<vmem>>, vector<1x16xf32>,
          %get3A_203 = vector.shape_cast %get3A_202 : vector<1x16xf32> to vector<16xf32>
          %get3A_204 = arith.index_cast %scan3A_171 : i32 to index
          %get3A_205 = arith.index_cast %mul3A_200 : i32 to index
          %get3A_206 = tpu.vector_load %arg7[%get3A_204, %get3A_205] {strides = array<i32>} : memref<8x2048xf32, #tpu.memory_space<vmem>>, vector<1x16xf32>,
          %get3A_207 = vector.shape_cast %get3A_206 : vector<1x16xf32> to vector<16xf32>
          %eq3A = arith.constant 0.000000e+00 : f32
          %eq3A_208 = vector.broadcast %eq3A : f32 to vector<16xf32>
          %eq3A_209 = arith.cmpf oeq, %get3A_207, %eq3A_208 : vector<16xf32>
          %sub3A = arith.subf %get3A_203, %get3A_207 : vector<16xf32>
          %jit3A = arith.constant 0.000000e+00 : f32
          %broadcast_in_dim3A_210 = vector.broadcast %jit3A : f32 to vector<16xf32>
          %select_n3A = arith.select %eq3A_209, %broadcast_in_dim3A_210, %sub3A : vector<16xi1>, vector<16xf32>
          %mul3A_211 = arith.mulf %select_n3A, %select_n3A : vector<16xf32>
          %add3A_212 = arith.addf %scan3A_187, %mul3A_211 : vector<16xf32>
          %jit3A_213 = arith.constant 1.000000e+00 : f32
          %jit3A_214 = arith.constant 0.000000e+00 : f32
          %broadcast_in_dim3A_215 = vector.broadcast %jit3A_213 : f32 to vector<16xf32>
          %broadcast_in_dim3A_216 = vector.broadcast %jit3A_214 : f32 to vector<16xf32>
          %select_n3A_217 = arith.select %eq3A_209, %broadcast_in_dim3A_215, %broadcast_in_dim3A_216 : vector<16xi1>, vector<16xf32>
          %add3A_218 = arith.addf %scan3A_191, %select_n3A_217 : vector<16xf32>
          %mul3A_219 = arith.constant 4 : i32
          %mul3A_220 = arith.muli %scan3A_186, %mul3A_219 : i32
          %add3A_221 = arith.constant 1 : i32
          %add3A_222 = arith.addi %mul3A_220, %add3A_221 : i32
          %mul3A_223 = arith.constant 16 : i32
          %mul3A_224 = arith.muli %add3A_222, %mul3A_223 : i32
          %get3A_225 = arith.index_cast %scan3A_171 : i32 to index
          %get3A_226 = arith.index_cast %mul3A_224 : i32 to index
          %get3A_227 = tpu.vector_load %arg5[%get3A_225, %get3A_226] {strides = array<i32>} : memref<8x2048xf32, #tpu.memory_space<vmem>>, vector<1x16xf32>,
          %get3A_228 = vector.shape_cast %get3A_227 : vector<1x16xf32> to vector<16xf32>
          %get3A_229 = arith.index_cast %scan3A_171 : i32 to index
          %get3A_230 = arith.index_cast %mul3A_224 : i32 to index
          %get3A_231 = tpu.vector_load %arg7[%get3A_229, %get3A_230] {strides = array<i32>} : memref<8x2048xf32, #tpu.memory_space<vmem>>, vector<1x16xf32>,
          %get3A_232 = vector.shape_cast %get3A_231 : vector<1x16xf32> to vector<16xf32>
          %eq3A_233 = arith.constant 0.000000e+00 : f32
          %eq3A_234 = vector.broadcast %eq3A_233 : f32 to vector<16xf32>
          %eq3A_235 = arith.cmpf oeq, %get3A_232, %eq3A_234 : vector<16xf32>
          %sub3A_236 = arith.subf %get3A_228, %get3A_232 : vector<16xf32>
          %jit3A_237 = arith.constant 0.000000e+00 : f32
          %broadcast_in_dim3A_238 = vector.broadcast %jit3A_237 : f32 to vector<16xf32>
          %select_n3A_239 = arith.select %eq3A_235, %broadcast_in_dim3A_238, %sub3A_236 : vector<16xi1>, vector<16xf32>
          %mul3A_240 = arith.mulf %select_n3A_239, %select_n3A_239 : vector<16xf32>
          %add3A_241 = arith.addf %scan3A_188, %mul3A_240 : vector<16xf32>
          %jit3A_242 = arith.constant 1.000000e+00 : f32
          %jit3A_243 = arith.constant 0.000000e+00 : f32
          %broadcast_in_dim3A_244 = vector.broadcast %jit3A_242 : f32 to vector<16xf32>
          %broadcast_in_dim3A_245 = vector.broadcast %jit3A_243 : f32 to vector<16xf32>
          %select_n3A_246 = arith.select %eq3A_235, %broadcast_in_dim3A_244, %broadcast_in_dim3A_245 : vector<16xi1>, vector<16xf32>
          %add3A_247 = arith.addf %scan3A_192, %select_n3A_246 : vector<16xf32>
          %mul3A_248 = arith.constant 4 : i32
          %mul3A_249 = arith.muli %scan3A_186, %mul3A_248 : i32
          %add3A_250 = arith.constant 2 : i32
          %add3A_251 = arith.addi %mul3A_249, %add3A_250 : i32
          %mul3A_252 = arith.constant 16 : i32
          %mul3A_253 = arith.muli %add3A_251, %mul3A_252 : i32
          %get3A_254 = arith.index_cast %scan3A_171 : i32 to index
          %get3A_255 = arith.index_cast %mul3A_253 : i32 to index
          %get3A_256 = tpu.vector_load %arg5[%get3A_254, %get3A_255] {strides = array<i32>} : memref<8x2048xf32, #tpu.memory_space<vmem>>, vector<1x16xf32>,
          %get3A_257 = vector.shape_cast %get3A_256 : vector<1x16xf32> to vector<16xf32>
          %get3A_258 = arith.index_cast %scan3A_171 : i32 to index
          %get3A_259 = arith.index_cast %mul3A_253 : i32 to index
          %get3A_260 = tpu.vector_load %arg7[%get3A_258, %get3A_259] {strides = array<i32>} : memref<8x2048xf32, #tpu.memory_space<vmem>>, vector<1x16xf32>,
          %get3A_261 = vector.shape_cast %get3A_260 : vector<1x16xf32> to vector<16xf32>
          %eq3A_262 = arith.constant 0.000000e+00 : f32
          %eq3A_263 = vector.broadcast %eq3A_262 : f32 to vector<16xf32>
          %eq3A_264 = arith.cmpf oeq, %get3A_261, %eq3A_263 : vector<16xf32>
          %sub3A_265 = arith.subf %get3A_257, %get3A_261 : vector<16xf32>
          %jit3A_266 = arith.constant 0.000000e+00 : f32
          %broadcast_in_dim3A_267 = vector.broadcast %jit3A_266 : f32 to vector<16xf32>
          %select_n3A_268 = arith.select %eq3A_264, %broadcast_in_dim3A_267, %sub3A_265 : vector<16xi1>, vector<16xf32>
          %mul3A_269 = arith.mulf %select_n3A_268, %select_n3A_268 : vector<16xf32>
          %add3A_270 = arith.addf %scan3A_189, %mul3A_269 : vector<16xf32>
          %jit3A_271 = arith.constant 1.000000e+00 : f32
          %jit3A_272 = arith.constant 0.000000e+00 : f32
          %broadcast_in_dim3A_273 = vector.broadcast %jit3A_271 : f32 to vector<16xf32>
          %broadcast_in_dim3A_274 = vector.broadcast %jit3A_272 : f32 to vector<16xf32>
          %select_n3A_275 = arith.select %eq3A_264, %broadcast_in_dim3A_273, %broadcast_in_dim3A_274 : vector<16xi1>, vector<16xf32>
          %add3A_276 = arith.addf %scan3A_193, %select_n3A_275 : vector<16xf32>
          %mul3A_277 = arith.constant 4 : i32
          %mul3A_278 = arith.muli %scan3A_186, %mul3A_277 : i32
          %add3A_279 = arith.constant 3 : i32
          %add3A_280 = arith.addi %mul3A_278, %add3A_279 : i32
          %mul3A_281 = arith.constant 16 : i32
          %mul3A_282 = arith.muli %add3A_280, %mul3A_281 : i32
          %get3A_283 = arith.index_cast %scan3A_171 : i32 to index
          %get3A_284 = arith.index_cast %mul3A_282 : i32 to index
          %get3A_285 = tpu.vector_load %arg5[%get3A_283, %get3A_284] {strides = array<i32>} : memref<8x2048xf32, #tpu.memory_space<vmem>>, vector<1x16xf32>,
          %get3A_286 = vector.shape_cast %get3A_285 : vector<1x16xf32> to vector<16xf32>
          %get3A_287 = arith.index_cast %scan3A_171 : i32 to index
          %get3A_288 = arith.index_cast %mul3A_282 : i32 to index
          %get3A_289 = tpu.vector_load %arg7[%get3A_287, %get3A_288] {strides = array<i32>} : memref<8x2048xf32, #tpu.memory_space<vmem>>, vector<1x16xf32>,
          %get3A_290 = vector.shape_cast %get3A_289 : vector<1x16xf32> to vector<16xf32>
          %eq3A_291 = arith.constant 0.000000e+00 : f32
          %eq3A_292 = vector.broadcast %eq3A_291 : f32 to vector<16xf32>
          %eq3A_293 = arith.cmpf oeq, %get3A_290, %eq3A_292 : vector<16xf32>
          %sub3A_294 = arith.subf %get3A_286, %get3A_290 : vector<16xf32>
          %jit3A_295 = arith.constant 0.000000e+00 : f32
          %broadcast_in_dim3A_296 = vector.broadcast %jit3A_295 : f32 to vector<16xf32>
          %select_n3A_297 = arith.select %eq3A_293, %broadcast_in_dim3A_296, %sub3A_294 : vector<16xi1>, vector<16xf32>
          %mul3A_298 = arith.mulf %select_n3A_297, %select_n3A_297 : vector<16xf32>
          %add3A_299 = arith.addf %scan3A_190, %mul3A_298 : vector<16xf32>
          %jit3A_300 = arith.constant 1.000000e+00 : f32
          %jit3A_301 = arith.constant 0.000000e+00 : f32
          %broadcast_in_dim3A_302 = vector.broadcast %jit3A_300 : f32 to vector<16xf32>
          %broadcast_in_dim3A_303 = vector.broadcast %jit3A_301 : f32 to vector<16xf32>
          %select_n3A_304 = arith.select %eq3A_293, %broadcast_in_dim3A_302, %broadcast_in_dim3A_303 : vector<16xi1>, vector<16xf32>
          %add3A_305 = arith.addf %scan3A_194, %select_n3A_304 : vector<16xf32>
          scf.yield %add3A_212, %add3A_241, %add3A_270, %add3A_299, %add3A_218, %add3A_247, %add3A_276, %add3A_305 : vector<16xf32>, vector<16xf32>, vector<16xf32>, vector<16xf32>, vector<16xf32>, vector<16xf32>, vector<16xf32>, vector<16xf32>
        }
        %scan3A_185 = arith.constant 32 : i32
        scf.yield %scan3A_184#0, %scan3A_184#1, %scan3A_184#2, %scan3A_184#3, %scan3A_184#4, %scan3A_184#5, %scan3A_184#6, %scan3A_184#7 : vector<16xf32>, vector<16xf32>, vector<16xf32>, vector<16xf32>, vector<16xf32>, vector<16xf32>, vector<16xf32>, vector<16xf32>
      }
      %scan3A_121 = arith.constant 8 : i32
      %add3A_122 = arith.constant 0 : i32
      %add3A_123 = arith.addi %mul3A_102, %add3A_122 : i32
      %add3A_124 = arith.constant 2 : i32
      %add3A_125 = arith.addi %add3A_123, %add3A_124 : i32
      %mul3A_126 = arith.constant 8 : i32
      %mul3A_127 = arith.muli %add3A_125, %mul3A_126 : i32
      %add3A_128 = arith.addi %add3A_4, %mul3A_127 : i32
      %dma_start3A_129 = arith.constant 0 : i32
      %dma_start3A_130 = tpu.memref_slice %arg2[%add3A_128, %dma_start3A_129] : memref<16384x2048xf32, #tpu.memory_space<hbm>> -> memref<8x2048xf32, #tpu.memory_space<hbm>>
      %dma_start3A_131 = arith.constant 0 : i32
      %dma_start3A_132 = tpu.memref_slice %arg2[%add3A_128, %dma_start3A_131] : memref<16384x2048xf32, #tpu.memory_space<hbm>> -> memref<8x2048xf32, #tpu.memory_space<hbm>>
      tpu.enqueue_dma source(%dma_start3A_132 : memref<8x2048xf32, #tpu.memory_space<hbm>>) target(%arg5 : memref<8x2048xf32, #tpu.memory_space<vmem>>) target_semaphore(%arg10 : memref<!tpu.dma_semaphore, #tpu.memory_space<semaphore_mem>>)
      %dma_start3A_133 = arith.constant 0 : i32
      %dma_start3A_134 = tpu.memref_slice %arg3[%add3A_128, %dma_start3A_133] : memref<16384x2048xf32, #tpu.memory_space<hbm>> -> memref<8x2048xf32, #tpu.memory_space<hbm>>
      %dma_start3A_135 = arith.constant 0 : i32
      %dma_start3A_136 = tpu.memref_slice %arg3[%add3A_128, %dma_start3A_135] : memref<16384x2048xf32, #tpu.memory_space<hbm>> -> memref<8x2048xf32, #tpu.memory_space<hbm>>
      tpu.enqueue_dma source(%dma_start3A_136 : memref<8x2048xf32, #tpu.memory_space<hbm>>) target(%arg7 : memref<8x2048xf32, #tpu.memory_space<vmem>>) target_semaphore(%arg10 : memref<!tpu.dma_semaphore, #tpu.memory_space<semaphore_mem>>)
      %add3A_137 = arith.constant 1 : i32
      %add3A_138 = arith.addi %mul3A_102, %add3A_137 : i32
      %mul3A_139 = arith.constant 8 : i32
      %mul3A_140 = arith.muli %add3A_138, %mul3A_139 : i32
      %add3A_141 = arith.addi %add3A_4, %mul3A_140 : i32
      %dma_wait3A_142 = arith.constant 0 : i32
      %dma_wait3A_143 = tpu.memref_slice %arg2[%add3A_141, %dma_wait3A_142] : memref<16384x2048xf32, #tpu.memory_space<hbm>> -> memref<8x2048xf32, #tpu.memory_space<hbm>>
      %dma_wait3A_144 = arith.constant 0 : i32
      %dma_wait3A_145 = tpu.memref_slice %arg2[%add3A_141, %dma_wait3A_144] : memref<16384x2048xf32, #tpu.memory_space<hbm>> -> memref<8x2048xf32, #tpu.memory_space<hbm>>
      tpu.wait_dma2 semaphore(%arg11 : memref<!tpu.dma_semaphore, #tpu.memory_space<semaphore_mem>>) src(%dma_wait3A_145 : memref<8x2048xf32, #tpu.memory_space<hbm>>) dst(%arg6 : memref<8x2048xf32, #tpu.memory_space<vmem>>)
      %dma_wait3A_146 = arith.constant 0 : i32
      %dma_wait3A_147 = tpu.memref_slice %arg3[%add3A_141, %dma_wait3A_146] : memref<16384x2048xf32, #tpu.memory_space<hbm>> -> memref<8x2048xf32, #tpu.memory_space<hbm>>
      %dma_wait3A_148 = arith.constant 0 : i32
      %dma_wait3A_149 = tpu.memref_slice %arg3[%add3A_141, %dma_wait3A_148] : memref<16384x2048xf32, #tpu.memory_space<hbm>> -> memref<8x2048xf32, #tpu.memory_space<hbm>>
      tpu.wait_dma2 semaphore(%arg11 : memref<!tpu.dma_semaphore, #tpu.memory_space<semaphore_mem>>) src(%dma_wait3A_149 : memref<8x2048xf32, #tpu.memory_space<hbm>>) dst(%arg8 : memref<8x2048xf32, #tpu.memory_space<vmem>>)
      %scan3A_150 = arith.constant 0 : i32
      %scan3A_151 = arith.constant 8 : i32
      %scan3A_152 = arith.addi %scan3A_150, %scan3A_151 : i32
      %scan3A_153 = arith.constant 1 : i32
      %scan3A_154:8 = scf.for %scan3A_171 = %scan3A_150 to %scan3A_152 step %scan3A_153 iter_args(%scan3A_172 = %scan3A_120#0, %scan3A_173 = %scan3A_120#1, %scan3A_174 = %scan3A_120#2, %scan3A_175 = %scan3A_120#3, %scan3A_176 = %scan3A_120#4, %scan3A_177 = %scan3A_120#5, %scan3A_178 = %scan3A_120#6, %scan3A_179 = %scan3A_120#7) -> (vector<16xf32>, vector<16xf32>, vector<16xf32>, vector<16xf32>, vector<16xf32>, vector<16xf32>, vector<16xf32>, vector<16xf32>)  : i32 {
        %scan3A_180 = arith.constant 0 : i32
        %scan3A_181 = arith.constant 32 : i32
        %scan3A_182 = arith.addi %scan3A_180, %scan3A_181 : i32
        %scan3A_183 = arith.constant 1 : i32
        %scan3A_184:8 = scf.for %scan3A_186 = %scan3A_180 to %scan3A_182 step %scan3A_183 iter_args(%scan3A_187 = %scan3A_172, %scan3A_188 = %scan3A_173, %scan3A_189 = %scan3A_174, %scan3A_190 = %scan3A_175, %scan3A_191 = %scan3A_176, %scan3A_192 = %scan3A_177, %scan3A_193 = %scan3A_178, %scan3A_194 = %scan3A_179) -> (vector<16xf32>, vector<16xf32>, vector<16xf32>, vector<16xf32>, vector<16xf32>, vector<16xf32>, vector<16xf32>, vector<16xf32>)  : i32 {
          %mul3A_195 = arith.constant 4 : i32
          %mul3A_196 = arith.muli %scan3A_186, %mul3A_195 : i32
          %add3A_197 = arith.constant 0 : i32
          %add3A_198 = arith.addi %mul3A_196, %add3A_197 : i32
          %mul3A_199 = arith.constant 16 : i32
          %mul3A_200 = arith.muli %add3A_198, %mul3A_199 : i32
          %get3A = arith.index_cast %scan3A_171 : i32 to index
          %get3A_201 = arith.index_cast %mul3A_200 : i32 to index
          %get3A_202 = tpu.vector_load %arg6[%get3A, %get3A_201] {strides = array<i32>} : memref<8x2048xf32, #tpu.memory_space<vmem>>, vector<1x16xf32>,
          %get3A_203 = vector.shape_cast %get3A_202 : vector<1x16xf32> to vector<16xf32>
          %get3A_204 = arith.index_cast %scan3A_171 : i32 to index
          %get3A_205 = arith.index_cast %mul3A_200 : i32 to index
          %get3A_206 = tpu.vector_load %arg8[%get3A_204, %get3A_205] {strides = array<i32>} : memref<8x2048xf32, #tpu.memory_space<vmem>>, vector<1x16xf32>,
          %get3A_207 = vector.shape_cast %get3A_206 : vector<1x16xf32> to vector<16xf32>
          %eq3A = arith.constant 0.000000e+00 : f32
          %eq3A_208 = vector.broadcast %eq3A : f32 to vector<16xf32>
          %eq3A_209 = arith.cmpf oeq, %get3A_207, %eq3A_208 : vector<16xf32>
          %sub3A = arith.subf %get3A_203, %get3A_207 : vector<16xf32>
          %jit3A = arith.constant 0.000000e+00 : f32
          %broadcast_in_dim3A_210 = vector.broadcast %jit3A : f32 to vector<16xf32>
          %select_n3A = arith.select %eq3A_209, %broadcast_in_dim3A_210, %sub3A : vector<16xi1>, vector<16xf32>
          %mul3A_211 = arith.mulf %select_n3A, %select_n3A : vector<16xf32>
          %add3A_212 = arith.addf %scan3A_187, %mul3A_211 : vector<16xf32>
          %jit3A_213 = arith.constant 1.000000e+00 : f32
          %jit3A_214 = arith.constant 0.000000e+00 : f32
          %broadcast_in_dim3A_215 = vector.broadcast %jit3A_213 : f32 to vector<16xf32>
          %broadcast_in_dim3A_216 = vector.broadcast %jit3A_214 : f32 to vector<16xf32>
          %select_n3A_217 = arith.select %eq3A_209, %broadcast_in_dim3A_215, %broadcast_in_dim3A_216 : vector<16xi1>, vector<16xf32>
          %add3A_218 = arith.addf %scan3A_191, %select_n3A_217 : vector<16xf32>
          %mul3A_219 = arith.constant 4 : i32
          %mul3A_220 = arith.muli %scan3A_186, %mul3A_219 : i32
          %add3A_221 = arith.constant 1 : i32
          %add3A_222 = arith.addi %mul3A_220, %add3A_221 : i32
          %mul3A_223 = arith.constant 16 : i32
          %mul3A_224 = arith.muli %add3A_222, %mul3A_223 : i32
          %get3A_225 = arith.index_cast %scan3A_171 : i32 to index
          %get3A_226 = arith.index_cast %mul3A_224 : i32 to index
          %get3A_227 = tpu.vector_load %arg6[%get3A_225, %get3A_226] {strides = array<i32>} : memref<8x2048xf32, #tpu.memory_space<vmem>>, vector<1x16xf32>,
          %get3A_228 = vector.shape_cast %get3A_227 : vector<1x16xf32> to vector<16xf32>
          %get3A_229 = arith.index_cast %scan3A_171 : i32 to index
          %get3A_230 = arith.index_cast %mul3A_224 : i32 to index
          %get3A_231 = tpu.vector_load %arg8[%get3A_229, %get3A_230] {strides = array<i32>} : memref<8x2048xf32, #tpu.memory_space<vmem>>, vector<1x16xf32>,
          %get3A_232 = vector.shape_cast %get3A_231 : vector<1x16xf32> to vector<16xf32>
          %eq3A_233 = arith.constant 0.000000e+00 : f32
          %eq3A_234 = vector.broadcast %eq3A_233 : f32 to vector<16xf32>
          %eq3A_235 = arith.cmpf oeq, %get3A_232, %eq3A_234 : vector<16xf32>
          %sub3A_236 = arith.subf %get3A_228, %get3A_232 : vector<16xf32>
          %jit3A_237 = arith.constant 0.000000e+00 : f32
          %broadcast_in_dim3A_238 = vector.broadcast %jit3A_237 : f32 to vector<16xf32>
          %select_n3A_239 = arith.select %eq3A_235, %broadcast_in_dim3A_238, %sub3A_236 : vector<16xi1>, vector<16xf32>
          %mul3A_240 = arith.mulf %select_n3A_239, %select_n3A_239 : vector<16xf32>
          %add3A_241 = arith.addf %scan3A_188, %mul3A_240 : vector<16xf32>
          %jit3A_242 = arith.constant 1.000000e+00 : f32
          %jit3A_243 = arith.constant 0.000000e+00 : f32
          %broadcast_in_dim3A_244 = vector.broadcast %jit3A_242 : f32 to vector<16xf32>
          %broadcast_in_dim3A_245 = vector.broadcast %jit3A_243 : f32 to vector<16xf32>
          %select_n3A_246 = arith.select %eq3A_235, %broadcast_in_dim3A_244, %broadcast_in_dim3A_245 : vector<16xi1>, vector<16xf32>
          %add3A_247 = arith.addf %scan3A_192, %select_n3A_246 : vector<16xf32>
          %mul3A_248 = arith.constant 4 : i32
          %mul3A_249 = arith.muli %scan3A_186, %mul3A_248 : i32
          %add3A_250 = arith.constant 2 : i32
          %add3A_251 = arith.addi %mul3A_249, %add3A_250 : i32
          %mul3A_252 = arith.constant 16 : i32
          %mul3A_253 = arith.muli %add3A_251, %mul3A_252 : i32
          %get3A_254 = arith.index_cast %scan3A_171 : i32 to index
          %get3A_255 = arith.index_cast %mul3A_253 : i32 to index
          %get3A_256 = tpu.vector_load %arg6[%get3A_254, %get3A_255] {strides = array<i32>} : memref<8x2048xf32, #tpu.memory_space<vmem>>, vector<1x16xf32>,
          %get3A_257 = vector.shape_cast %get3A_256 : vector<1x16xf32> to vector<16xf32>
          %get3A_258 = arith.index_cast %scan3A_171 : i32 to index
          %get3A_259 = arith.index_cast %mul3A_253 : i32 to index
          %get3A_260 = tpu.vector_load %arg8[%get3A_258, %get3A_259] {strides = array<i32>} : memref<8x2048xf32, #tpu.memory_space<vmem>>, vector<1x16xf32>,
          %get3A_261 = vector.shape_cast %get3A_260 : vector<1x16xf32> to vector<16xf32>
          %eq3A_262 = arith.constant 0.000000e+00 : f32
          %eq3A_263 = vector.broadcast %eq3A_262 : f32 to vector<16xf32>
          %eq3A_264 = arith.cmpf oeq, %get3A_261, %eq3A_263 : vector<16xf32>
          %sub3A_265 = arith.subf %get3A_257, %get3A_261 : vector<16xf32>
          %jit3A_266 = arith.constant 0.000000e+00 : f32
          %broadcast_in_dim3A_267 = vector.broadcast %jit3A_266 : f32 to vector<16xf32>
          %select_n3A_268 = arith.select %eq3A_264, %broadcast_in_dim3A_267, %sub3A_265 : vector<16xi1>, vector<16xf32>
          %mul3A_269 = arith.mulf %select_n3A_268, %select_n3A_268 : vector<16xf32>
          %add3A_270 = arith.addf %scan3A_189, %mul3A_269 : vector<16xf32>
          %jit3A_271 = arith.constant 1.000000e+00 : f32
          %jit3A_272 = arith.constant 0.000000e+00 : f32
          %broadcast_in_dim3A_273 = vector.broadcast %jit3A_271 : f32 to vector<16xf32>
          %broadcast_in_dim3A_274 = vector.broadcast %jit3A_272 : f32 to vector<16xf32>
          %select_n3A_275 = arith.select %eq3A_264, %broadcast_in_dim3A_273, %broadcast_in_dim3A_274 : vector<16xi1>, vector<16xf32>
          %add3A_276 = arith.addf %scan3A_193, %select_n3A_275 : vector<16xf32>
          %mul3A_277 = arith.constant 4 : i32
          %mul3A_278 = arith.muli %scan3A_186, %mul3A_277 : i32
          %add3A_279 = arith.constant 3 : i32
          %add3A_280 = arith.addi %mul3A_278, %add3A_279 : i32
          %mul3A_281 = arith.constant 16 : i32
          %mul3A_282 = arith.muli %add3A_280, %mul3A_281 : i32
          %get3A_283 = arith.index_cast %scan3A_171 : i32 to index
          %get3A_284 = arith.index_cast %mul3A_282 : i32 to index
          %get3A_285 = tpu.vector_load %arg6[%get3A_283, %get3A_284] {strides = array<i32>} : memref<8x2048xf32, #tpu.memory_space<vmem>>, vector<1x16xf32>,
          %get3A_286 = vector.shape_cast %get3A_285 : vector<1x16xf32> to vector<16xf32>
          %get3A_287 = arith.index_cast %scan3A_171 : i32 to index
          %get3A_288 = arith.index_cast %mul3A_282 : i32 to index
          %get3A_289 = tpu.vector_load %arg8[%get3A_287, %get3A_288] {strides = array<i32>} : memref<8x2048xf32, #tpu.memory_space<vmem>>, vector<1x16xf32>,
          %get3A_290 = vector.shape_cast %get3A_289 : vector<1x16xf32> to vector<16xf32>
          %eq3A_291 = arith.constant 0.000000e+00 : f32
          %eq3A_292 = vector.broadcast %eq3A_291 : f32 to vector<16xf32>
          %eq3A_293 = arith.cmpf oeq, %get3A_290, %eq3A_292 : vector<16xf32>
          %sub3A_294 = arith.subf %get3A_286, %get3A_290 : vector<16xf32>
          %jit3A_295 = arith.constant 0.000000e+00 : f32
          %broadcast_in_dim3A_296 = vector.broadcast %jit3A_295 : f32 to vector<16xf32>
          %select_n3A_297 = arith.select %eq3A_293, %broadcast_in_dim3A_296, %sub3A_294 : vector<16xi1>, vector<16xf32>
          %mul3A_298 = arith.mulf %select_n3A_297, %select_n3A_297 : vector<16xf32>
          %add3A_299 = arith.addf %scan3A_190, %mul3A_298 : vector<16xf32>
          %jit3A_300 = arith.constant 1.000000e+00 : f32
          %jit3A_301 = arith.constant 0.000000e+00 : f32
          %broadcast_in_dim3A_302 = vector.broadcast %jit3A_300 : f32 to vector<16xf32>
          %broadcast_in_dim3A_303 = vector.broadcast %jit3A_301 : f32 to vector<16xf32>
          %select_n3A_304 = arith.select %eq3A_293, %broadcast_in_dim3A_302, %broadcast_in_dim3A_303 : vector<16xi1>, vector<16xf32>
          %add3A_305 = arith.addf %scan3A_194, %select_n3A_304 : vector<16xf32>
          scf.yield %add3A_212, %add3A_241, %add3A_270, %add3A_299, %add3A_218, %add3A_247, %add3A_276, %add3A_305 : vector<16xf32>, vector<16xf32>, vector<16xf32>, vector<16xf32>, vector<16xf32>, vector<16xf32>, vector<16xf32>, vector<16xf32>
        }
        %scan3A_185 = arith.constant 32 : i32
        scf.yield %scan3A_184#0, %scan3A_184#1, %scan3A_184#2, %scan3A_184#3, %scan3A_184#4, %scan3A_184#5, %scan3A_184#6, %scan3A_184#7 : vector<16xf32>, vector<16xf32>, vector<16xf32>, vector<16xf32>, vector<16xf32>, vector<16xf32>, vector<16xf32>, vector<16xf32>
      }
      %scan3A_155 = arith.constant 8 : i32
      %add3A_156 = arith.constant 1 : i32
      %add3A_157 = arith.addi %mul3A_102, %add3A_156 : i32
      %add3A_158 = arith.constant 2 : i32
      %add3A_159 = arith.addi %add3A_157, %add3A_158 : i32
      %mul3A_160 = arith.constant 8 : i32
      %mul3A_161 = arith.muli %add3A_159, %mul3A_160 : i32
      %add3A_162 = arith.addi %add3A_4, %mul3A_161 : i32
      %dma_start3A_163 = arith.constant 0 : i32
      %dma_start3A_164 = tpu.memref_slice %arg2[%add3A_162, %dma_start3A_163] : memref<16384x2048xf32, #tpu.memory_space<hbm>> -> memref<8x2048xf32, #tpu.memory_space<hbm>>
      %dma_start3A_165 = arith.constant 0 : i32
      %dma_start3A_166 = tpu.memref_slice %arg2[%add3A_162, %dma_start3A_165] : memref<16384x2048xf32, #tpu.memory_space<hbm>> -> memref<8x2048xf32, #tpu.memory_space<hbm>>
      tpu.enqueue_dma source(%dma_start3A_166 : memref<8x2048xf32, #tpu.memory_space<hbm>>) target(%arg6 : memref<8x2048xf32, #tpu.memory_space<vmem>>) target_semaphore(%arg11 : memref<!tpu.dma_semaphore, #tpu.memory_space<semaphore_mem>>)
      %dma_start3A_167 = arith.constant 0 : i32
      %dma_start3A_168 = tpu.memref_slice %arg3[%add3A_162, %dma_start3A_167] : memref<16384x2048xf32, #tpu.memory_space<hbm>> -> memref<8x2048xf32, #tpu.memory_space<hbm>>
      %dma_start3A_169 = arith.constant 0 : i32
      %dma_start3A_170 = tpu.memref_slice %arg3[%add3A_162, %dma_start3A_169] : memref<16384x2048xf32, #tpu.memory_space<hbm>> -> memref<8x2048xf32, #tpu.memory_space<hbm>>
      tpu.enqueue_dma source(%dma_start3A_170 : memref<8x2048xf32, #tpu.memory_space<hbm>>) target(%arg8 : memref<8x2048xf32, #tpu.memory_space<vmem>>) target_semaphore(%arg11 : memref<!tpu.dma_semaphore, #tpu.memory_space<semaphore_mem>>)
      scf.yield %scan3A_154#0, %scan3A_154#1, %scan3A_154#2, %scan3A_154#3, %scan3A_154#4, %scan3A_154#5, %scan3A_154#6, %scan3A_154#7 : vector<16xf32>, vector<16xf32>, vector<16xf32>, vector<16xf32>, vector<16xf32>, vector<16xf32>, vector<16xf32>, vector<16xf32>
    }
    %scan3A_43 = arith.constant 12 : i32
    %add3A_44 = arith.constant 192 : i32
    %add3A_45 = arith.addi %add3A_4, %add3A_44 : i32
    %dma_wait3A = arith.constant 0 : i32
    %dma_wait3A_46 = tpu.memref_slice %arg2[%add3A_45, %dma_wait3A] : memref<16384x2048xf32, #tpu.memory_space<hbm>> -> memref<8x2048xf32, #tpu.memory_space<hbm>>
    %dma_wait3A_47 = arith.constant 0 : i32
    %dma_wait3A_48 = tpu.memref_slice %arg2[%add3A_45, %dma_wait3A_47] : memref<16384x2048xf32, #tpu.memory_space<hbm>> -> memref<8x2048xf32, #tpu.memory_space<hbm>>
    tpu.wait_dma2 semaphore(%arg10 : memref<!tpu.dma_semaphore, #tpu.memory_space<semaphore_mem>>) src(%dma_wait3A_48 : memref<8x2048xf32, #tpu.memory_space<hbm>>) dst(%arg5 : memref<8x2048xf32, #tpu.memory_space<vmem>>)
    %dma_wait3A_49 = arith.constant 0 : i32
    %dma_wait3A_50 = tpu.memref_slice %arg3[%add3A_45, %dma_wait3A_49] : memref<16384x2048xf32, #tpu.memory_space<hbm>> -> memref<8x2048xf32, #tpu.memory_space<hbm>>
    %dma_wait3A_51 = arith.constant 0 : i32
    %dma_wait3A_52 = tpu.memref_slice %arg3[%add3A_45, %dma_wait3A_51] : memref<16384x2048xf32, #tpu.memory_space<hbm>> -> memref<8x2048xf32, #tpu.memory_space<hbm>>
    tpu.wait_dma2 semaphore(%arg10 : memref<!tpu.dma_semaphore, #tpu.memory_space<semaphore_mem>>) src(%dma_wait3A_52 : memref<8x2048xf32, #tpu.memory_space<hbm>>) dst(%arg7 : memref<8x2048xf32, #tpu.memory_space<vmem>>)
    %scan3A_53 = arith.constant 0 : i32
    %scan3A_54 = arith.constant 8 : i32
    %scan3A_55 = arith.addi %scan3A_53, %scan3A_54 : i32
    %scan3A_56 = arith.constant 1 : i32
    %scan3A_57:8 = scf.for %scan3A_92 = %scan3A_53 to %scan3A_55 step %scan3A_56 iter_args(%scan3A_93 = %scan3A_42#0, %scan3A_94 = %scan3A_42#1, %scan3A_95 = %scan3A_42#2, %scan3A_96 = %scan3A_42#3, %scan3A_97 = %scan3A_42#4, %scan3A_98 = %scan3A_42#5, %scan3A_99 = %scan3A_42#6, %scan3A_100 = %scan3A_42#7) -> (vector<16xf32>, vector<16xf32>, vector<16xf32>, vector<16xf32>, vector<16xf32>, vector<16xf32>, vector<16xf32>, vector<16xf32>)  : i32 {
      %scan3A_101 = arith.constant 0 : i32
      %scan3A_102 = arith.constant 32 : i32
      %scan3A_103 = arith.addi %scan3A_101, %scan3A_102 : i32
      %scan3A_104 = arith.constant 1 : i32
      %scan3A_105:8 = scf.for %scan3A_107 = %scan3A_101 to %scan3A_103 step %scan3A_104 iter_args(%scan3A_108 = %scan3A_93, %scan3A_109 = %scan3A_94, %scan3A_110 = %scan3A_95, %scan3A_111 = %scan3A_96, %scan3A_112 = %scan3A_97, %scan3A_113 = %scan3A_98, %scan3A_114 = %scan3A_99, %scan3A_115 = %scan3A_100) -> (vector<16xf32>, vector<16xf32>, vector<16xf32>, vector<16xf32>, vector<16xf32>, vector<16xf32>, vector<16xf32>, vector<16xf32>)  : i32 {
        %mul3A_116 = arith.constant 4 : i32
        %mul3A_117 = arith.muli %scan3A_107, %mul3A_116 : i32
        %add3A_118 = arith.constant 0 : i32
        %add3A_119 = arith.addi %mul3A_117, %add3A_118 : i32
        %mul3A_120 = arith.constant 16 : i32
        %mul3A_121 = arith.muli %add3A_119, %mul3A_120 : i32
        %get3A = arith.index_cast %scan3A_92 : i32 to index
        %get3A_122 = arith.index_cast %mul3A_121 : i32 to index
        %get3A_123 = tpu.vector_load %arg5[%get3A, %get3A_122] {strides = array<i32>} : memref<8x2048xf32, #tpu.memory_space<vmem>>, vector<1x16xf32>,
        %get3A_124 = vector.shape_cast %get3A_123 : vector<1x16xf32> to vector<16xf32>
        %get3A_125 = arith.index_cast %scan3A_92 : i32 to index
        %get3A_126 = arith.index_cast %mul3A_121 : i32 to index
        %get3A_127 = tpu.vector_load %arg7[%get3A_125, %get3A_126] {strides = array<i32>} : memref<8x2048xf32, #tpu.memory_space<vmem>>, vector<1x16xf32>,
        %get3A_128 = vector.shape_cast %get3A_127 : vector<1x16xf32> to vector<16xf32>
        %eq3A = arith.constant 0.000000e+00 : f32
        %eq3A_129 = vector.broadcast %eq3A : f32 to vector<16xf32>
        %eq3A_130 = arith.cmpf oeq, %get3A_128, %eq3A_129 : vector<16xf32>
        %sub3A = arith.subf %get3A_124, %get3A_128 : vector<16xf32>
        %jit3A = arith.constant 0.000000e+00 : f32
        %broadcast_in_dim3A_131 = vector.broadcast %jit3A : f32 to vector<16xf32>
        %select_n3A = arith.select %eq3A_130, %broadcast_in_dim3A_131, %sub3A : vector<16xi1>, vector<16xf32>
        %mul3A_132 = arith.mulf %select_n3A, %select_n3A : vector<16xf32>
        %add3A_133 = arith.addf %scan3A_108, %mul3A_132 : vector<16xf32>
        %jit3A_134 = arith.constant 1.000000e+00 : f32
        %jit3A_135 = arith.constant 0.000000e+00 : f32
        %broadcast_in_dim3A_136 = vector.broadcast %jit3A_134 : f32 to vector<16xf32>
        %broadcast_in_dim3A_137 = vector.broadcast %jit3A_135 : f32 to vector<16xf32>
        %select_n3A_138 = arith.select %eq3A_130, %broadcast_in_dim3A_136, %broadcast_in_dim3A_137 : vector<16xi1>, vector<16xf32>
        %add3A_139 = arith.addf %scan3A_112, %select_n3A_138 : vector<16xf32>
        %mul3A_140 = arith.constant 4 : i32
        %mul3A_141 = arith.muli %scan3A_107, %mul3A_140 : i32
        %add3A_142 = arith.constant 1 : i32
        %add3A_143 = arith.addi %mul3A_141, %add3A_142 : i32
        %mul3A_144 = arith.constant 16 : i32
        %mul3A_145 = arith.muli %add3A_143, %mul3A_144 : i32
        %get3A_146 = arith.index_cast %scan3A_92 : i32 to index
        %get3A_147 = arith.index_cast %mul3A_145 : i32 to index
        %get3A_148 = tpu.vector_load %arg5[%get3A_146, %get3A_147] {strides = array<i32>} : memref<8x2048xf32, #tpu.memory_space<vmem>>, vector<1x16xf32>,
        %get3A_149 = vector.shape_cast %get3A_148 : vector<1x16xf32> to vector<16xf32>
        %get3A_150 = arith.index_cast %scan3A_92 : i32 to index
        %get3A_151 = arith.index_cast %mul3A_145 : i32 to index
        %get3A_152 = tpu.vector_load %arg7[%get3A_150, %get3A_151] {strides = array<i32>} : memref<8x2048xf32, #tpu.memory_space<vmem>>, vector<1x16xf32>,
        %get3A_153 = vector.shape_cast %get3A_152 : vector<1x16xf32> to vector<16xf32>
        %eq3A_154 = arith.constant 0.000000e+00 : f32
        %eq3A_155 = vector.broadcast %eq3A_154 : f32 to vector<16xf32>
        %eq3A_156 = arith.cmpf oeq, %get3A_153, %eq3A_155 : vector<16xf32>
        %sub3A_157 = arith.subf %get3A_149, %get3A_153 : vector<16xf32>
        %jit3A_158 = arith.constant 0.000000e+00 : f32
        %broadcast_in_dim3A_159 = vector.broadcast %jit3A_158 : f32 to vector<16xf32>
        %select_n3A_160 = arith.select %eq3A_156, %broadcast_in_dim3A_159, %sub3A_157 : vector<16xi1>, vector<16xf32>
        %mul3A_161 = arith.mulf %select_n3A_160, %select_n3A_160 : vector<16xf32>
        %add3A_162 = arith.addf %scan3A_109, %mul3A_161 : vector<16xf32>
        %jit3A_163 = arith.constant 1.000000e+00 : f32
        %jit3A_164 = arith.constant 0.000000e+00 : f32
        %broadcast_in_dim3A_165 = vector.broadcast %jit3A_163 : f32 to vector<16xf32>
        %broadcast_in_dim3A_166 = vector.broadcast %jit3A_164 : f32 to vector<16xf32>
        %select_n3A_167 = arith.select %eq3A_156, %broadcast_in_dim3A_165, %broadcast_in_dim3A_166 : vector<16xi1>, vector<16xf32>
        %add3A_168 = arith.addf %scan3A_113, %select_n3A_167 : vector<16xf32>
        %mul3A_169 = arith.constant 4 : i32
        %mul3A_170 = arith.muli %scan3A_107, %mul3A_169 : i32
        %add3A_171 = arith.constant 2 : i32
        %add3A_172 = arith.addi %mul3A_170, %add3A_171 : i32
        %mul3A_173 = arith.constant 16 : i32
        %mul3A_174 = arith.muli %add3A_172, %mul3A_173 : i32
        %get3A_175 = arith.index_cast %scan3A_92 : i32 to index
        %get3A_176 = arith.index_cast %mul3A_174 : i32 to index
        %get3A_177 = tpu.vector_load %arg5[%get3A_175, %get3A_176] {strides = array<i32>} : memref<8x2048xf32, #tpu.memory_space<vmem>>, vector<1x16xf32>,
        %get3A_178 = vector.shape_cast %get3A_177 : vector<1x16xf32> to vector<16xf32>
        %get3A_179 = arith.index_cast %scan3A_92 : i32 to index
        %get3A_180 = arith.index_cast %mul3A_174 : i32 to index
        %get3A_181 = tpu.vector_load %arg7[%get3A_179, %get3A_180] {strides = array<i32>} : memref<8x2048xf32, #tpu.memory_space<vmem>>, vector<1x16xf32>,
        %get3A_182 = vector.shape_cast %get3A_181 : vector<1x16xf32> to vector<16xf32>
        %eq3A_183 = arith.constant 0.000000e+00 : f32
        %eq3A_184 = vector.broadcast %eq3A_183 : f32 to vector<16xf32>
        %eq3A_185 = arith.cmpf oeq, %get3A_182, %eq3A_184 : vector<16xf32>
        %sub3A_186 = arith.subf %get3A_178, %get3A_182 : vector<16xf32>
        %jit3A_187 = arith.constant 0.000000e+00 : f32
        %broadcast_in_dim3A_188 = vector.broadcast %jit3A_187 : f32 to vector<16xf32>
        %select_n3A_189 = arith.select %eq3A_185, %broadcast_in_dim3A_188, %sub3A_186 : vector<16xi1>, vector<16xf32>
        %mul3A_190 = arith.mulf %select_n3A_189, %select_n3A_189 : vector<16xf32>
        %add3A_191 = arith.addf %scan3A_110, %mul3A_190 : vector<16xf32>
        %jit3A_192 = arith.constant 1.000000e+00 : f32
        %jit3A_193 = arith.constant 0.000000e+00 : f32
        %broadcast_in_dim3A_194 = vector.broadcast %jit3A_192 : f32 to vector<16xf32>
        %broadcast_in_dim3A_195 = vector.broadcast %jit3A_193 : f32 to vector<16xf32>
        %select_n3A_196 = arith.select %eq3A_185, %broadcast_in_dim3A_194, %broadcast_in_dim3A_195 : vector<16xi1>, vector<16xf32>
        %add3A_197 = arith.addf %scan3A_114, %select_n3A_196 : vector<16xf32>
        %mul3A_198 = arith.constant 4 : i32
        %mul3A_199 = arith.muli %scan3A_107, %mul3A_198 : i32
        %add3A_200 = arith.constant 3 : i32
        %add3A_201 = arith.addi %mul3A_199, %add3A_200 : i32
        %mul3A_202 = arith.constant 16 : i32
        %mul3A_203 = arith.muli %add3A_201, %mul3A_202 : i32
        %get3A_204 = arith.index_cast %scan3A_92 : i32 to index
        %get3A_205 = arith.index_cast %mul3A_203 : i32 to index
        %get3A_206 = tpu.vector_load %arg5[%get3A_204, %get3A_205] {strides = array<i32>} : memref<8x2048xf32, #tpu.memory_space<vmem>>, vector<1x16xf32>,
        %get3A_207 = vector.shape_cast %get3A_206 : vector<1x16xf32> to vector<16xf32>
        %get3A_208 = arith.index_cast %scan3A_92 : i32 to index
        %get3A_209 = arith.index_cast %mul3A_203 : i32 to index
        %get3A_210 = tpu.vector_load %arg7[%get3A_208, %get3A_209] {strides = array<i32>} : memref<8x2048xf32, #tpu.memory_space<vmem>>, vector<1x16xf32>,
        %get3A_211 = vector.shape_cast %get3A_210 : vector<1x16xf32> to vector<16xf32>
        %eq3A_212 = arith.constant 0.000000e+00 : f32
        %eq3A_213 = vector.broadcast %eq3A_212 : f32 to vector<16xf32>
        %eq3A_214 = arith.cmpf oeq, %get3A_211, %eq3A_213 : vector<16xf32>
        %sub3A_215 = arith.subf %get3A_207, %get3A_211 : vector<16xf32>
        %jit3A_216 = arith.constant 0.000000e+00 : f32
        %broadcast_in_dim3A_217 = vector.broadcast %jit3A_216 : f32 to vector<16xf32>
        %select_n3A_218 = arith.select %eq3A_214, %broadcast_in_dim3A_217, %sub3A_215 : vector<16xi1>, vector<16xf32>
        %mul3A_219 = arith.mulf %select_n3A_218, %select_n3A_218 : vector<16xf32>
        %add3A_220 = arith.addf %scan3A_111, %mul3A_219 : vector<16xf32>
        %jit3A_221 = arith.constant 1.000000e+00 : f32
        %jit3A_222 = arith.constant 0.000000e+00 : f32
        %broadcast_in_dim3A_223 = vector.broadcast %jit3A_221 : f32 to vector<16xf32>
        %broadcast_in_dim3A_224 = vector.broadcast %jit3A_222 : f32 to vector<16xf32>
        %select_n3A_225 = arith.select %eq3A_214, %broadcast_in_dim3A_223, %broadcast_in_dim3A_224 : vector<16xi1>, vector<16xf32>
        %add3A_226 = arith.addf %scan3A_115, %select_n3A_225 : vector<16xf32>
        scf.yield %add3A_133, %add3A_162, %add3A_191, %add3A_220, %add3A_139, %add3A_168, %add3A_197, %add3A_226 : vector<16xf32>, vector<16xf32>, vector<16xf32>, vector<16xf32>, vector<16xf32>, vector<16xf32>, vector<16xf32>, vector<16xf32>
      }
      %scan3A_106 = arith.constant 32 : i32
      scf.yield %scan3A_105#0, %scan3A_105#1, %scan3A_105#2, %scan3A_105#3, %scan3A_105#4, %scan3A_105#5, %scan3A_105#6, %scan3A_105#7 : vector<16xf32>, vector<16xf32>, vector<16xf32>, vector<16xf32>, vector<16xf32>, vector<16xf32>, vector<16xf32>, vector<16xf32>
    }
    %scan3A_58 = arith.constant 8 : i32
    %add3A_59 = arith.constant 200 : i32
    %add3A_60 = arith.addi %add3A_4, %add3A_59 : i32
    %dma_wait3A_61 = arith.constant 0 : i32
    %dma_wait3A_62 = tpu.memref_slice %arg2[%add3A_60, %dma_wait3A_61] : memref<16384x2048xf32, #tpu.memory_space<hbm>> -> memref<8x2048xf32, #tpu.memory_space<hbm>>
    %dma_wait3A_63 = arith.constant 0 : i32
    %dma_wait3A_64 = tpu.memref_slice %arg2[%add3A_60, %dma_wait3A_63] : memref<16384x2048xf32, #tpu.memory_space<hbm>> -> memref<8x2048xf32, #tpu.memory_space<hbm>>
    tpu.wait_dma2 semaphore(%arg11 : memref<!tpu.dma_semaphore, #tpu.memory_space<semaphore_mem>>) src(%dma_wait3A_64 : memref<8x2048xf32, #tpu.memory_space<hbm>>) dst(%arg6 : memref<8x2048xf32, #tpu.memory_space<vmem>>)
    %dma_wait3A_65 = arith.constant 0 : i32
    %dma_wait3A_66 = tpu.memref_slice %arg3[%add3A_60, %dma_wait3A_65] : memref<16384x2048xf32, #tpu.memory_space<hbm>> -> memref<8x2048xf32, #tpu.memory_space<hbm>>
    %dma_wait3A_67 = arith.constant 0 : i32
    %dma_wait3A_68 = tpu.memref_slice %arg3[%add3A_60, %dma_wait3A_67] : memref<16384x2048xf32, #tpu.memory_space<hbm>> -> memref<8x2048xf32, #tpu.memory_space<hbm>>
    tpu.wait_dma2 semaphore(%arg11 : memref<!tpu.dma_semaphore, #tpu.memory_space<semaphore_mem>>) src(%dma_wait3A_68 : memref<8x2048xf32, #tpu.memory_space<hbm>>) dst(%arg8 : memref<8x2048xf32, #tpu.memory_space<vmem>>)
    %scan3A_69 = arith.constant 0 : i32
    %scan3A_70 = arith.constant 8 : i32
    %scan3A_71 = arith.addi %scan3A_69, %scan3A_70 : i32
    %scan3A_72 = arith.constant 1 : i32
    %scan3A_73:8 = scf.for %scan3A_92 = %scan3A_69 to %scan3A_71 step %scan3A_72 iter_args(%scan3A_93 = %scan3A_57#0, %scan3A_94 = %scan3A_57#1, %scan3A_95 = %scan3A_57#2, %scan3A_96 = %scan3A_57#3, %scan3A_97 = %scan3A_57#4, %scan3A_98 = %scan3A_57#5, %scan3A_99 = %scan3A_57#6, %scan3A_100 = %scan3A_57#7) -> (vector<16xf32>, vector<16xf32>, vector<16xf32>, vector<16xf32>, vector<16xf32>, vector<16xf32>, vector<16xf32>, vector<16xf32>)  : i32 {
      %scan3A_101 = arith.constant 0 : i32
      %scan3A_102 = arith.constant 32 : i32
      %scan3A_103 = arith.addi %scan3A_101, %scan3A_102 : i32
      %scan3A_104 = arith.constant 1 : i32
      %scan3A_105:8 = scf.for %scan3A_107 = %scan3A_101 to %scan3A_103 step %scan3A_104 iter_args(%scan3A_108 = %scan3A_93, %scan3A_109 = %scan3A_94, %scan3A_110 = %scan3A_95, %scan3A_111 = %scan3A_96, %scan3A_112 = %scan3A_97, %scan3A_113 = %scan3A_98, %scan3A_114 = %scan3A_99, %scan3A_115 = %scan3A_100) -> (vector<16xf32>, vector<16xf32>, vector<16xf32>, vector<16xf32>, vector<16xf32>, vector<16xf32>, vector<16xf32>, vector<16xf32>)  : i32 {
        %mul3A_116 = arith.constant 4 : i32
        %mul3A_117 = arith.muli %scan3A_107, %mul3A_116 : i32
        %add3A_118 = arith.constant 0 : i32
        %add3A_119 = arith.addi %mul3A_117, %add3A_118 : i32
        %mul3A_120 = arith.constant 16 : i32
        %mul3A_121 = arith.muli %add3A_119, %mul3A_120 : i32
        %get3A = arith.index_cast %scan3A_92 : i32 to index
        %get3A_122 = arith.index_cast %mul3A_121 : i32 to index
        %get3A_123 = tpu.vector_load %arg6[%get3A, %get3A_122] {strides = array<i32>} : memref<8x2048xf32, #tpu.memory_space<vmem>>, vector<1x16xf32>,
        %get3A_124 = vector.shape_cast %get3A_123 : vector<1x16xf32> to vector<16xf32>
        %get3A_125 = arith.index_cast %scan3A_92 : i32 to index
        %get3A_126 = arith.index_cast %mul3A_121 : i32 to index
        %get3A_127 = tpu.vector_load %arg8[%get3A_125, %get3A_126] {strides = array<i32>} : memref<8x2048xf32, #tpu.memory_space<vmem>>, vector<1x16xf32>,
        %get3A_128 = vector.shape_cast %get3A_127 : vector<1x16xf32> to vector<16xf32>
        %eq3A = arith.constant 0.000000e+00 : f32
        %eq3A_129 = vector.broadcast %eq3A : f32 to vector<16xf32>
        %eq3A_130 = arith.cmpf oeq, %get3A_128, %eq3A_129 : vector<16xf32>
        %sub3A = arith.subf %get3A_124, %get3A_128 : vector<16xf32>
        %jit3A = arith.constant 0.000000e+00 : f32
        %broadcast_in_dim3A_131 = vector.broadcast %jit3A : f32 to vector<16xf32>
        %select_n3A = arith.select %eq3A_130, %broadcast_in_dim3A_131, %sub3A : vector<16xi1>, vector<16xf32>
        %mul3A_132 = arith.mulf %select_n3A, %select_n3A : vector<16xf32>
        %add3A_133 = arith.addf %scan3A_108, %mul3A_132 : vector<16xf32>
        %jit3A_134 = arith.constant 1.000000e+00 : f32
        %jit3A_135 = arith.constant 0.000000e+00 : f32
        %broadcast_in_dim3A_136 = vector.broadcast %jit3A_134 : f32 to vector<16xf32>
        %broadcast_in_dim3A_137 = vector.broadcast %jit3A_135 : f32 to vector<16xf32>
        %select_n3A_138 = arith.select %eq3A_130, %broadcast_in_dim3A_136, %broadcast_in_dim3A_137 : vector<16xi1>, vector<16xf32>
        %add3A_139 = arith.addf %scan3A_112, %select_n3A_138 : vector<16xf32>
        %mul3A_140 = arith.constant 4 : i32
        %mul3A_141 = arith.muli %scan3A_107, %mul3A_140 : i32
        %add3A_142 = arith.constant 1 : i32
        %add3A_143 = arith.addi %mul3A_141, %add3A_142 : i32
        %mul3A_144 = arith.constant 16 : i32
        %mul3A_145 = arith.muli %add3A_143, %mul3A_144 : i32
        %get3A_146 = arith.index_cast %scan3A_92 : i32 to index
        %get3A_147 = arith.index_cast %mul3A_145 : i32 to index
        %get3A_148 = tpu.vector_load %arg6[%get3A_146, %get3A_147] {strides = array<i32>} : memref<8x2048xf32, #tpu.memory_space<vmem>>, vector<1x16xf32>,
        %get3A_149 = vector.shape_cast %get3A_148 : vector<1x16xf32> to vector<16xf32>
        %get3A_150 = arith.index_cast %scan3A_92 : i32 to index
        %get3A_151 = arith.index_cast %mul3A_145 : i32 to index
        %get3A_152 = tpu.vector_load %arg8[%get3A_150, %get3A_151] {strides = array<i32>} : memref<8x2048xf32, #tpu.memory_space<vmem>>, vector<1x16xf32>,
        %get3A_153 = vector.shape_cast %get3A_152 : vector<1x16xf32> to vector<16xf32>
        %eq3A_154 = arith.constant 0.000000e+00 : f32
        %eq3A_155 = vector.broadcast %eq3A_154 : f32 to vector<16xf32>
        %eq3A_156 = arith.cmpf oeq, %get3A_153, %eq3A_155 : vector<16xf32>
        %sub3A_157 = arith.subf %get3A_149, %get3A_153 : vector<16xf32>
        %jit3A_158 = arith.constant 0.000000e+00 : f32
        %broadcast_in_dim3A_159 = vector.broadcast %jit3A_158 : f32 to vector<16xf32>
        %select_n3A_160 = arith.select %eq3A_156, %broadcast_in_dim3A_159, %sub3A_157 : vector<16xi1>, vector<16xf32>
        %mul3A_161 = arith.mulf %select_n3A_160, %select_n3A_160 : vector<16xf32>
        %add3A_162 = arith.addf %scan3A_109, %mul3A_161 : vector<16xf32>
        %jit3A_163 = arith.constant 1.000000e+00 : f32
        %jit3A_164 = arith.constant 0.000000e+00 : f32
        %broadcast_in_dim3A_165 = vector.broadcast %jit3A_163 : f32 to vector<16xf32>
        %broadcast_in_dim3A_166 = vector.broadcast %jit3A_164 : f32 to vector<16xf32>
        %select_n3A_167 = arith.select %eq3A_156, %broadcast_in_dim3A_165, %broadcast_in_dim3A_166 : vector<16xi1>, vector<16xf32>
        %add3A_168 = arith.addf %scan3A_113, %select_n3A_167 : vector<16xf32>
        %mul3A_169 = arith.constant 4 : i32
        %mul3A_170 = arith.muli %scan3A_107, %mul3A_169 : i32
        %add3A_171 = arith.constant 2 : i32
        %add3A_172 = arith.addi %mul3A_170, %add3A_171 : i32
        %mul3A_173 = arith.constant 16 : i32
        %mul3A_174 = arith.muli %add3A_172, %mul3A_173 : i32
        %get3A_175 = arith.index_cast %scan3A_92 : i32 to index
        %get3A_176 = arith.index_cast %mul3A_174 : i32 to index
        %get3A_177 = tpu.vector_load %arg6[%get3A_175, %get3A_176] {strides = array<i32>} : memref<8x2048xf32, #tpu.memory_space<vmem>>, vector<1x16xf32>,
        %get3A_178 = vector.shape_cast %get3A_177 : vector<1x16xf32> to vector<16xf32>
        %get3A_179 = arith.index_cast %scan3A_92 : i32 to index
        %get3A_180 = arith.index_cast %mul3A_174 : i32 to index
        %get3A_181 = tpu.vector_load %arg8[%get3A_179, %get3A_180] {strides = array<i32>} : memref<8x2048xf32, #tpu.memory_space<vmem>>, vector<1x16xf32>,
        %get3A_182 = vector.shape_cast %get3A_181 : vector<1x16xf32> to vector<16xf32>
        %eq3A_183 = arith.constant 0.000000e+00 : f32
        %eq3A_184 = vector.broadcast %eq3A_183 : f32 to vector<16xf32>
        %eq3A_185 = arith.cmpf oeq, %get3A_182, %eq3A_184 : vector<16xf32>
        %sub3A_186 = arith.subf %get3A_178, %get3A_182 : vector<16xf32>
        %jit3A_187 = arith.constant 0.000000e+00 : f32
        %broadcast_in_dim3A_188 = vector.broadcast %jit3A_187 : f32 to vector<16xf32>
        %select_n3A_189 = arith.select %eq3A_185, %broadcast_in_dim3A_188, %sub3A_186 : vector<16xi1>, vector<16xf32>
        %mul3A_190 = arith.mulf %select_n3A_189, %select_n3A_189 : vector<16xf32>
        %add3A_191 = arith.addf %scan3A_110, %mul3A_190 : vector<16xf32>
        %jit3A_192 = arith.constant 1.000000e+00 : f32
        %jit3A_193 = arith.constant 0.000000e+00 : f32
        %broadcast_in_dim3A_194 = vector.broadcast %jit3A_192 : f32 to vector<16xf32>
        %broadcast_in_dim3A_195 = vector.broadcast %jit3A_193 : f32 to vector<16xf32>
        %select_n3A_196 = arith.select %eq3A_185, %broadcast_in_dim3A_194, %broadcast_in_dim3A_195 : vector<16xi1>, vector<16xf32>
        %add3A_197 = arith.addf %scan3A_114, %select_n3A_196 : vector<16xf32>
        %mul3A_198 = arith.constant 4 : i32
        %mul3A_199 = arith.muli %scan3A_107, %mul3A_198 : i32
        %add3A_200 = arith.constant 3 : i32
        %add3A_201 = arith.addi %mul3A_199, %add3A_200 : i32
        %mul3A_202 = arith.constant 16 : i32
        %mul3A_203 = arith.muli %add3A_201, %mul3A_202 : i32
        %get3A_204 = arith.index_cast %scan3A_92 : i32 to index
        %get3A_205 = arith.index_cast %mul3A_203 : i32 to index
        %get3A_206 = tpu.vector_load %arg6[%get3A_204, %get3A_205] {strides = array<i32>} : memref<8x2048xf32, #tpu.memory_space<vmem>>, vector<1x16xf32>,
        %get3A_207 = vector.shape_cast %get3A_206 : vector<1x16xf32> to vector<16xf32>
        %get3A_208 = arith.index_cast %scan3A_92 : i32 to index
        %get3A_209 = arith.index_cast %mul3A_203 : i32 to index
        %get3A_210 = tpu.vector_load %arg8[%get3A_208, %get3A_209] {strides = array<i32>} : memref<8x2048xf32, #tpu.memory_space<vmem>>, vector<1x16xf32>,
        %get3A_211 = vector.shape_cast %get3A_210 : vector<1x16xf32> to vector<16xf32>
        %eq3A_212 = arith.constant 0.000000e+00 : f32
        %eq3A_213 = vector.broadcast %eq3A_212 : f32 to vector<16xf32>
        %eq3A_214 = arith.cmpf oeq, %get3A_211, %eq3A_213 : vector<16xf32>
        %sub3A_215 = arith.subf %get3A_207, %get3A_211 : vector<16xf32>
        %jit3A_216 = arith.constant 0.000000e+00 : f32
        %broadcast_in_dim3A_217 = vector.broadcast %jit3A_216 : f32 to vector<16xf32>
        %select_n3A_218 = arith.select %eq3A_214, %broadcast_in_dim3A_217, %sub3A_215 : vector<16xi1>, vector<16xf32>
        %mul3A_219 = arith.mulf %select_n3A_218, %select_n3A_218 : vector<16xf32>
        %add3A_220 = arith.addf %scan3A_111, %mul3A_219 : vector<16xf32>
        %jit3A_221 = arith.constant 1.000000e+00 : f32
        %jit3A_222 = arith.constant 0.000000e+00 : f32
        %broadcast_in_dim3A_223 = vector.broadcast %jit3A_221 : f32 to vector<16xf32>
        %broadcast_in_dim3A_224 = vector.broadcast %jit3A_222 : f32 to vector<16xf32>
        %select_n3A_225 = arith.select %eq3A_214, %broadcast_in_dim3A_223, %broadcast_in_dim3A_224 : vector<16xi1>, vector<16xf32>
        %add3A_226 = arith.addf %scan3A_115, %select_n3A_225 : vector<16xf32>
        scf.yield %add3A_133, %add3A_162, %add3A_191, %add3A_220, %add3A_139, %add3A_168, %add3A_197, %add3A_226 : vector<16xf32>, vector<16xf32>, vector<16xf32>, vector<16xf32>, vector<16xf32>, vector<16xf32>, vector<16xf32>, vector<16xf32>
      }
      %scan3A_106 = arith.constant 32 : i32
      scf.yield %scan3A_105#0, %scan3A_105#1, %scan3A_105#2, %scan3A_105#3, %scan3A_105#4, %scan3A_105#5, %scan3A_105#6, %scan3A_105#7 : vector<16xf32>, vector<16xf32>, vector<16xf32>, vector<16xf32>, vector<16xf32>, vector<16xf32>, vector<16xf32>, vector<16xf32>
    }
    %scan3A_74 = arith.constant 8 : i32
    %add3A_75 = arith.addf %scan3A_73#0, %scan3A_73#1 : vector<16xf32>
    %add3A_76 = arith.addf %scan3A_73#2, %scan3A_73#3 : vector<16xf32>
    %add3A_77 = arith.addf %add3A_75, %add3A_76 : vector<16xf32>
    %add3A_78 = arith.addf %scan3A_73#4, %scan3A_73#5 : vector<16xf32>
    %add3A_79 = arith.addf %scan3A_73#6, %scan3A_73#7 : vector<16xf32>
    %add3A_80 = arith.addf %add3A_78, %add3A_79 : vector<16xf32>
    %swap3A = arith.constant 0 : index
    %swap3A_81 = tpu.vector_load %arg9[%swap3A] {strides = array<i32>} : memref<32xf32, #tpu.memory_space<vmem>>, vector<16xf32>,
    %swap3A_82 = vector.shape_cast %swap3A_81 : vector<16xf32> to vector<16xf32>
    %swap3A_83 = vector.shape_cast %add3A_77 : vector<16xf32> to vector<16xf32>
    tpu.vector_store %arg9[%swap3A], %swap3A_83 {strides = array<i32>} : memref<32xf32, #tpu.memory_space<vmem>>, vector<16xf32>,
    %swap3A_84 = arith.constant 16 : index
    %swap3A_85 = tpu.vector_load %arg9[%swap3A_84] {strides = array<i32>} : memref<32xf32, #tpu.memory_space<vmem>>, vector<16xf32>,
    %swap3A_86 = vector.shape_cast %swap3A_85 : vector<16xf32> to vector<16xf32>
    %swap3A_87 = vector.shape_cast %add3A_80 : vector<16xf32> to vector<16xf32>
    tpu.vector_store %arg9[%swap3A_84], %swap3A_87 {strides = array<i32>} : memref<32xf32, #tpu.memory_space<vmem>>, vector<16xf32>,
    %mul3A_88 = arith.constant 2 : i32
    %mul3A_89 = arith.muli %add3A, %mul3A_88 : i32
    %mul3A_90 = arith.constant 16 : i32
    %mul3A_91 = arith.muli %mul3A_89, %mul3A_90 : i32
    "tpu.region"() ({
      %run_scoped3A = tpu.sem_alloc : memref<!tpu.dma_semaphore, #tpu.memory_space<semaphore_mem>>
      %dma_start3A_92 = tpu.memref_slice %arg4[%mul3A_91] : memref<1024xf32, #tpu.memory_space<hbm>> -> memref<32xf32, #tpu.memory_space<hbm>>
      %dma_start3A_93 = tpu.memref_slice %arg4[%mul3A_91] : memref<1024xf32, #tpu.memory_space<hbm>> -> memref<32xf32, #tpu.memory_space<hbm>>
      tpu.enqueue_dma source(%arg9 : memref<32xf32, #tpu.memory_space<vmem>>) target(%dma_start3A_93 : memref<32xf32, #tpu.memory_space<hbm>>) target_semaphore(%run_scoped3A : memref<!tpu.dma_semaphore, #tpu.memory_space<semaphore_mem>>)
      %dma_wait3A_94 = tpu.memref_slice %arg4[%mul3A_91] : memref<1024xf32, #tpu.memory_space<hbm>> -> memref<32xf32, #tpu.memory_space<hbm>>
      %dma_wait3A_95 = tpu.memref_slice %arg4[%mul3A_91] : memref<1024xf32, #tpu.memory_space<hbm>> -> memref<32xf32, #tpu.memory_space<hbm>>
      tpu.wait_dma2 semaphore(%run_scoped3A : memref<!tpu.dma_semaphore, #tpu.memory_space<semaphore_mem>>) src(%arg9 : memref<32xf32, #tpu.memory_space<vmem>>) dst(%dma_wait3A_95 : memref<32xf32, #tpu.memory_space<hbm>>)
      tpu.yield
    }) : () -> ()
    return
  }
}

module attributes {stable_mosaic.version = 14 : i64} {
  func.func @_lambda_(%arg0: i32, %arg1: memref<512x2048xf32, #tpu.memory_space<vmem>>, %arg2: memref<512x2048xf32, #tpu.memory_space<vmem>>, %arg3: memref<1x2xf32, #tpu.memory_space<smem>>, %arg4: memref<1x2xf32, #tpu.memory_space<smem>>) attributes {dimension_semantics = [#tpu.dimension_semantics<arbitrary>], iteration_bounds = array<i64: 19>, scalar_prefetch = 0 : i64, scratch_operands = 1 : i64, tpu.core_type = #tpu.core_type<tc>, window_params = [{transform_indices = @transform_0, window_bounds = array<i64: 512, 2048>}, {transform_indices = @transform_1, window_bounds = array<i64: 512, 2048>}, {transform_indices = @transform_2, window_bounds = array<i64: 1, 2>}]} {
    %eq3A = arith.constant 0 : i32
    %eq3A_0 = arith.cmpi eq, %arg0, %eq3A : i32
    %convert_element_type3A = arith.extui %eq3A_0 : i1 to i32
    %cond3A = arith.constant 0 : i32
    %cond3A_1 = arith.cmpi ne, %convert_element_type3A, %cond3A : i32
    scf.if %cond3A_1 {
      %swap3A_37 = arith.constant 0.000000e+00 : f32
      %swap3A_38 = arith.constant 0 : index
      %swap3A_39 = arith.constant 0 : index
      %swap3A_40 = memref.load %arg4[%swap3A_38, %swap3A_39] : memref<1x2xf32, #tpu.memory_space<smem>>
      memref.store %swap3A_37, %arg4[%swap3A_38, %swap3A_39] : memref<1x2xf32, #tpu.memory_space<smem>>
      %swap3A_41 = arith.constant 0.000000e+00 : f32
      %swap3A_42 = arith.constant 0 : index
      %swap3A_43 = arith.constant 1 : index
      %swap3A_44 = memref.load %arg4[%swap3A_42, %swap3A_43] : memref<1x2xf32, #tpu.memory_space<smem>>
      memref.store %swap3A_41, %arg4[%swap3A_42, %swap3A_43] : memref<1x2xf32, #tpu.memory_space<smem>>
    } else {
    }
    %get3A = arith.constant 0 : index
    %get3A_2 = arith.constant 0 : index
    %get3A_3 = vector.load %arg1[%get3A, %get3A_2] : memref<512x2048xf32, #tpu.memory_space<vmem>>, vector<512x2048xf32>
    %get3A_4 = arith.constant 0 : index
    %get3A_5 = arith.constant 0 : index
    %get3A_6 = vector.load %arg2[%get3A_4, %get3A_5] : memref<512x2048xf32, #tpu.memory_space<vmem>>, vector<512x2048xf32>
    %ne3A = arith.constant 0.000000e+00 : f32
    %ne3A_7 = vector.broadcast %ne3A : f32 to vector<512x2048xf32>
    %ne3A_8 = arith.cmpf one, %get3A_6, %ne3A_7 : vector<512x2048xf32>
    %sub3A = arith.subf %get3A_3, %get3A_6 : vector<512x2048xf32>
    %jit3A = arith.constant 0.000000e+00 : f32
    %broadcast_in_dim3A = vector.broadcast %jit3A : f32 to vector<512x2048xf32>
    %select_n3A = arith.select %ne3A_8, %sub3A, %broadcast_in_dim3A : vector<512x2048xi1>, vector<512x2048xf32>
    %get3A_9 = arith.constant 0 : index
    %get3A_10 = arith.constant 0 : index
    %get3A_11 = memref.load %arg4[%get3A_9, %get3A_10] : memref<1x2xf32, #tpu.memory_space<smem>>
    %mul3A = arith.mulf %select_n3A, %select_n3A : vector<512x2048xf32>
    %reduce_sum3A = vector.shape_cast %mul3A : vector<512x2048xf32> to vector<1x512x2048xf32>
    %reduce_sum3A_12 = arith.constant dense<0.000000e+00> : vector<1xf32>
    %reduce_sum3A_13 = vector.multi_reduction <add>, %reduce_sum3A, %reduce_sum3A_12 [1, 2] : vector<1x512x2048xf32> to vector<1xf32>
    %reduce_sum3A_14 = vector.shape_cast %reduce_sum3A_13 : vector<1xf32> to vector<1x1x1xf32>
    %reduce_sum3A_15 = vector.extract %reduce_sum3A_14[0, 0, 0] : f32 from vector<1x1x1xf32>
    %add3A = arith.addf %get3A_11, %reduce_sum3A_15 : f32
    %swap3A = arith.constant 0 : index
    %swap3A_16 = arith.constant 0 : index
    %swap3A_17 = memref.load %arg4[%swap3A, %swap3A_16] : memref<1x2xf32, #tpu.memory_space<smem>>
    memref.store %add3A, %arg4[%swap3A, %swap3A_16] : memref<1x2xf32, #tpu.memory_space<smem>>
    %get3A_18 = arith.constant 0 : index
    %get3A_19 = arith.constant 1 : index
    %get3A_20 = memref.load %arg4[%get3A_18, %get3A_19] : memref<1x2xf32, #tpu.memory_space<smem>>
    %convert_element_type3A_21 = arith.extui %ne3A_8 : vector<512x2048xi1> to vector<512x2048xi32>
    %convert_element_type3A_22 = arith.sitofp %convert_element_type3A_21 : vector<512x2048xi32> to vector<512x2048xf32>
    %reduce_sum3A_23 = vector.shape_cast %convert_element_type3A_22 : vector<512x2048xf32> to vector<1x512x2048xf32>
    %reduce_sum3A_24 = arith.constant dense<0.000000e+00> : vector<1xf32>
    %reduce_sum3A_25 = vector.multi_reduction <add>, %reduce_sum3A_23, %reduce_sum3A_24 [1, 2] : vector<1x512x2048xf32> to vector<1xf32>
    %reduce_sum3A_26 = vector.shape_cast %reduce_sum3A_25 : vector<1xf32> to vector<1x1x1xf32>
    %reduce_sum3A_27 = vector.extract %reduce_sum3A_26[0, 0, 0] : f32 from vector<1x1x1xf32>
    %add3A_28 = arith.addf %get3A_20, %reduce_sum3A_27 : f32
    %swap3A_29 = arith.constant 0 : index
    %swap3A_30 = arith.constant 1 : index
    %swap3A_31 = memref.load %arg4[%swap3A_29, %swap3A_30] : memref<1x2xf32, #tpu.memory_space<smem>>
    memref.store %add3A_28, %arg4[%swap3A_29, %swap3A_30] : memref<1x2xf32, #tpu.memory_space<smem>>
    %eq3A_32 = arith.constant 18 : i32
    %eq3A_33 = arith.cmpi eq, %arg0, %eq3A_32 : i32
    %convert_element_type3A_34 = arith.extui %eq3A_33 : i1 to i32
    %cond3A_35 = arith.constant 0 : i32
    %cond3A_36 = arith.cmpi ne, %convert_element_type3A_34, %cond3A_35 : i32
    scf.if %cond3A_36 {
      %get3A_37 = arith.constant 0 : index
      %get3A_38 = arith.constant 0 : index
      %get3A_39 = memref.load %arg4[%get3A_37, %get3A_38] : memref<1x2xf32, #tpu.memory_space<smem>>
      %swap3A_40 = arith.constant 0 : index
      %swap3A_41 = arith.constant 0 : index
      %swap3A_42 = memref.load %arg3[%swap3A_40, %swap3A_41] : memref<1x2xf32, #tpu.memory_space<smem>>
      memref.store %get3A_39, %arg3[%swap3A_40, %swap3A_41] : memref<1x2xf32, #tpu.memory_space<smem>>
      %get3A_43 = arith.constant 0 : index
      %get3A_44 = arith.constant 1 : index
      %get3A_45 = memref.load %arg4[%get3A_43, %get3A_44] : memref<1x2xf32, #tpu.memory_space<smem>>
      %swap3A_46 = arith.constant 0 : index
      %swap3A_47 = arith.constant 1 : index
      %swap3A_48 = memref.load %arg3[%swap3A_46, %swap3A_47] : memref<1x2xf32, #tpu.memory_space<smem>>
      memref.store %get3A_45, %arg3[%swap3A_46, %swap3A_47] : memref<1x2xf32, #tpu.memory_space<smem>>
    } else {
    }
    return
  }
  func.func @transform_0(%arg0: i32) -> (i32, i32) {
    %c0_i32 = arith.constant 0 : i32
    %c0_i32_0 = arith.constant 0 : i32
    return %arg0, %c0_i32 : i32, i32
  }
  func.func @transform_1(%arg0: i32) -> (i32, i32) {
    %c0_i32 = arith.constant 0 : i32
    %c0_i32_0 = arith.constant 0 : i32
    return %arg0, %c0_i32 : i32, i32
  }
  func.func @transform_2(%arg0: i32) -> (i32, i32) {
    %c0_i32 = arith.constant 0 : i32
    %c0_i32_0 = arith.constant 0 : i32
    %c0_i32_1 = arith.constant 0 : i32
    return %c0_i32, %c0_i32_0 : i32, i32
  }
}

</mosaic_0001>

<sc_bundles>
// kernel: kernel.4.cloned.1.call-start
scs
__scs_entry_jumppad:
0x0: {  	(pc) =	sbr.rel $0x88, $3  }
0x1: {  	(tag) =	ssettag $0x0;
	lr =	simm.s32 $0x1  }
0x2: {  	[smem:$0x3F9F] =	sst lr;
	_ =	strace $0xD0000000  }
0x3: {  	_ = 	snop  }
0x4: {  	_ = 	snop  }
0x5: {  	_ = 	snop  }
0x6: {  	_ = 	snop  }
0x7: {  	_ = 	snop  }
__scs_overlays_trampoline_lowered:
0x8: {  	[smem:$0x3FAE] =	sst s0  }
0x9: {  	[smem:$0x3FAF] =	sst s1  }
0xa: {  	[smem:$0x3FB0] =	sst s2  }
0xb: {  	[smem:$0x3FB1] =	sst s3  }
0xc: {  	[smem:$0x3FB2] =	sst s4  }
0xd: {  	[smem:$0x3FB3] =	sst s5  }
0xe: {  	[smem:$0x3FB4] =	sst s6  }
0xf: {  	[smem:$0x3FB5] =	sst s7  }
0x10: {  	[smem:$0x3FB6] =	sst s8  }
0x11: {  	[smem:$0x3FB7] =	sst s9;
	s0 =	simm.s32 @!p0 $0x0  }
0x12: {  	s1 =	sld [smem:$0x3F9D];
	s0 =	simm.s32 @p0 $0x1  }
0x13: {  	[smem:$0x3FB8] =	sst s0;
	s0 =	simm.s32 @!p1 $0x0  }
0x14: {  	s2 =	sld [smem:$0x3F9C];
	s0 =	simm.s32 @p1 $0x1  }
0x15: {  	[smem:$0x3FB9] =	sst s0;
	s0 =	simm.s32 @!p2 $0x0  }
0x16: {  	s3 =	sld [smem:$0x3FDB];
	s0 =	simm.s32 @p2 $0x1  }
0x17: {  	s4 =	simm.s32 $0x1BF5;
	[smem:$0x3FBB] =	sst s0  }
0x18: {  	s0 =	sld [smem:$0x3F9E];
	_ =	swait.ge [sflag:s4], $0x0  }
0x19: {  	s7 =	sld [smem:$0x3F9F]  }
0x1a: {  	s8 =	sadd.s32 $0xFFFFE003, lr  }
0x1b: {  	s9 =	sadd.s32 $0xFFFFFEF7, lr;
	s5 =	simm.s32 $0xFFFFFFFF;
	p2 =	slt.u32 s8, $0xFFFFF086  }
0x1c: {  	p1 =	slt.u32 s9, $0xF7A;
	s5 =	simm.s32 @!p2 $0x0  }
0x1d: {  	s5 =	simm.s32 @p1 $0x1;
	p0 =	seq.s32 s7, s2  }
0x1e: {  	s7 =	smul.u32 @!p0 $0xF7A, s2;
	p2 =	seq.s32 @!p0 s5, $0x0  }
0x1f: {  	s9 =	smul.u32 $0xF7A, s1;
	s8 =	simm.s32 @!p0 $0x1BF5;
	p2 =	por !p2, p0  }
0x20: {  	[sflag:s8] =	ssyncset.s32 @!p0 $0xFFFFF086;
	s6 =	sadd.s32 @!p0 s3, s7;
	s7 =	simm.s32 @!p0 $0x108  }
0x21: {  	s3 =	sadd.s32 s3, s9;
	s6 =	sadd.s32 @!p0 $0x88, s6;
	s7 =	simm.s32 @p2 $0x1082  }
0x22: {  	[simem:s7], [sflag:s8] =	dma.local @!p0 [hbm:s6], $0xF7A  }
0x23: {  	s9 =	sor.u32 $0xD0000000, s2;
	s6 =	simm.s32 $0x108;
	_ =	swait.ge @!p0 [sflag:s8], $0x0  }
0x24: {  	s3 =	sadd.s32 $0x88, s3;
	s6 =	simm.s32 @!p1 $0x1082;
	[sflag:s4] =	ssyncset.s32 $0xFFFFF086  }
0x25: {  	[simem:s6], [sflag:s4] =	dma.local [hbm:s3], $0xF7A  }
0x26: {  	[smem:$0x3F9F] =	sst s1;
	(tag) =	ssettag s2;
	_ =	strace s9  }
0x27: {  	s1 =	sld [smem:$0x3FAF]  }
0x28: {  	s2 =	sld [smem:$0x3FB0]  }
0x29: {  	s4 =	sld [smem:$0x3FB2]  }
0x2a: {  	p0 =	seq.s32 s5, $0x0;
	s5 =	sld [smem:$0x3FB3]  }
0x2b: {  	s6 =	sld [smem:$0x3FB4]  }
0x2c: {  	s7 =	sld [smem:$0x3FB5]  }
0x2d: {  	s3 =	simm.s32 $0x108;
	s8 =	sld [smem:$0x3FB6]  }
0x2e: {  	s3 =	simm.s32 @!p0 $0x1082;
	s9 =	sld [smem:$0x3FB7]  }
0x2f: {  	lr =	sadd.s32 s0, s3;
	s0 =	sld [smem:$0x3FAE]  }
0x30: {  	s3 =	sld [smem:$0x3FB1]  }
0x31: {  	[smem:$0x3FBA] =	sst s10  }
0x32: {  	s10 =	sld [smem:$0x3FB8];
	_ =	sdelay $0x3  }
0x33: {  	p0 =	seq.s32 s10, $0x1;
	s10 =	sld [smem:$0x3FBA];
	_ =	sdelay $0x3  }
0x34: {  	[smem:$0x3FBA] =	sst s10  }
0x35: {  	s10 =	sld [smem:$0x3FB9];
	_ =	sdelay $0x3  }
0x36: {  	p1 =	seq.s32 s10, $0x1;
	s10 =	sld [smem:$0x3FBA];
	_ =	sdelay $0x3  }
0x37: {  	[smem:$0x3FBA] =	sst s10  }
0x38: {  	s10 =	sld [smem:$0x3FBB]  }
0x39: {  	_ = 	snop;
	(pc) =	sbr.ind lr, $3  }
0x3a: {  	_ = 	snop  }
0x3b: {  	_ = 	snop  }
0x3c: {  	p2 =	seq.s32 s10, $0x1;
	s10 =	sld [smem:$0x3FBA]  }
0x3d: {  	_ =	shalt  }
0x3e: {  	_ =	shalt  }
0x3f: {  	_ =	shalt  }
0x40: {  	_ =	shalt  }
0x41: {  	_ =	shalt  }
0x42: {  	_ =	shalt  }
0x43: {  	_ =	shalt  }
0x44: {  	_ =	shalt  }
0x45: {  	_ =	shalt  }
0x46: {  	_ =	shalt  }
0x47: {  	_ =	shalt  }
0x48: {  	_ =	shalt  }
0x49: {  	_ =	shalt  }
0x4a: {  	_ =	shalt  }
0x4b: {  	_ =	shalt  }
0x4c: {  	_ =	shalt  }
0x4d: {  	_ =	shalt  }
0x4e: {  	_ =	shalt  }
0x4f: {  	_ =	shalt  }
0x50: {  	_ =	shalt  }
0x51: {  	_ =	shalt  }
0x52: {  	_ =	shalt  }
0x53: {  	_ =	shalt  }
0x54: {  	_ =	shalt  }
0x55: {  	_ =	shalt  }
0x56: {  	_ =	shalt  }
0x57: {  	_ =	shalt  }
0x58: {  	_ =	shalt  }
0x59: {  	_ =	shalt  }
0x5a: {  	_ =	shalt  }
0x5b: {  	_ =	shalt  }
0x5c: {  	_ =	shalt  }
0x5d: {  	_ =	shalt  }
0x5e: {  	_ =	shalt  }
0x5f: {  	_ =	shalt  }
0x60: {  	_ =	shalt  }
0x61: {  	_ =	shalt  }
0x62: {  	_ =	shalt  }
0x63: {  	_ =	shalt  }
0x64: {  	_ =	shalt  }
0x65: {  	_ =	shalt  }
0x66: {  	_ =	shalt  }
0x67: {  	_ =	shalt  }
0x68: {  	_ =	shalt  }
0x69: {  	_ =	shalt  }
0x6a: {  	_ =	shalt  }
0x6b: {  	_ =	shalt  }
0x6c: {  	_ =	shalt  }
0x6d: {  	_ =	shalt  }
0x6e: {  	_ =	shalt  }
0x6f: {  	_ =	shalt  }
0x70: {  	_ =	shalt  }
0x71: {  	_ =	shalt  }
0x72: {  	_ =	shalt  }
0x73: {  	_ =	shalt  }
0x74: {  	_ =	shalt  }
0x75: {  	_ =	shalt  }
0x76: {  	_ =	shalt  }
0x77: {  	_ =	shalt  }
0x78: {  	_ =	shalt  }
0x79: {  	_ =	shalt  }
0x7a: {  	_ =	shalt  }
0x7b: {  	_ =	shalt  }
0x7c: {  	_ =	shalt  }
0x7d: {  	_ =	shalt  }
0x7e: {  	_ =	shalt  }
0x7f: {  	_ =	shalt  }
0x80: {  	_ =	shalt  }
0x81: {  	_ =	shalt  }
0x82: {  	_ =	shalt  }
0x83: {  	_ =	shalt  }
0x84: {  	_ =	shalt  }
0x85: {  	_ =	shalt  }
0x86: {  	_ =	shalt  }
0x87: {  	_ =	shalt  }
.Lfunc_end0:
.L_simem_size_0:
called_computation_lowered:
.L_overlay_start_0:
0x88: {  	s2 =	sld [smem:$0x3FD9]  }
0x89: {  	s3 =	sld [smem:$0x3FFE];
	_ =	sdelay $0x1  }
0x8a: {  	s1 =	srdreg.scid  }
0x8b: {  	s0 =	sand.u32 $0x1, s1  }
0x8c: {  	s17 =	sshll.u32 s0, $0xA;
	s2 =	sadd.s32 s3, s2  }
0x8d: {  	s2 =	sadd.s32 s2, s17  }
0x8e: {  	[smem:$0x3FC6] =	sst s2  }
0x8f: {  	_ = 	snop  }
0x90: {  	s2 =	sld [smem:$0x3FC9]  }
0x91: {  	s18 =	sld [smem:$0x3FC8];
	(tm) =	ssettm $0x1  }
0x92: {  	s4 =	sld [smem:$0x3FFB];
	_ =	sdelay $0x3  }
0x93: {  	_ =	strace s4  }
0x94: {  	s4 =	sld [smem:$0x3FFC];
	_ =	sdelay $0x3  }
0x95: {  	_ =	strace s4  }
0x96: {  	s4 =	sld [smem:$0x3FFD];
	_ =	sdelay $0x3  }
0x97: {  	_ =	strace s4  }
0x98: {  	_ =	strace $0x8FFFFFFF  }
0x99: {  	s19 =	sld [smem:$0x3FDB];
	_ =	sdelay $0x1  }
0x9a: {  	s5 =	simm.s32 $_scs_section_size  }
0x9b: {  	s6 =	simm.s32 $_size__tile_overlayer_lowered;
	s7 =	simm.s32 $_tile_overlayer_lowered  }
0x9c: {  	s22 =	simm.s32 $0x1BFF;
	s21 =	sshll.u32 s7, $0x1;
	s4 =	sadd.s32 s5, s19  }
0x9d: {  	s8 =	simm.s32 $0x0;
	s20 =	sshll.u32 s6, $0x1;
	s6 =	sadd.s32 s21, s4  }
0x9e: {  	[timem:s8], [sflag:s22] =	dma.local [hbm:s6], s20  }
0x9f: {  	_ =	swait.ge [sflag:s22], s20  }
0xa0: {  	s5 =	ssub.s32 $0x0, s20;
	[sflag:s22] =	ssyncset.done $0x0  }
0xa1: {  	[sflag:s22] =	ssyncadd.s32 s5;
	_ =	sdelay $0x1  }
0xa2: {  	s23 =	simm.s32 $0x1B8B  }
0xa3: {  	_ =	swait.ge [sflag:s23], $0x1  }
0xa4: {  	[sflag:s23] =	ssyncset.done $0x0  }
0xa5: {  	s25 =	simm.s32 $0x1B8E;
	s24 =	sld [smem:$0x3FFE];
	[sflag:s23] =	ssyncadd.s32 $0xFFFFFFFF  }
0xa6: {  	s26 =	simm.s32 $execute0_lowered;
	[smem:$0x3FD2] =	sst s25  }
0xa7: {  	s6 =	sshll.u32 s26, $0x1;
	_ =	strace $0x80000046;
	[dreg:$0x1] =	wrdreg $0xFFFFFFFF  }
0xa8: {  	s28 =	simm.s32 $_size_execute0_lowered;
	s4 =	sadd.s32 s4, s6;
	[dreg:$0x0] =	wrdreg $0x0  }
0xa9: {  	s6 =	sshll.u32 s28, $0x1;
	[dreg:$0x2] =	wrdreg s4  }
0xaa: {  	[dreg:$0x3] =	wrdreg s6  }
0xab: {  	[dreg:$0x4] =	wrdreg $0xC0  }
0xac: {  	_ =	task [dreg:s8], $0x5FFFF  }
0xad: {  	[dreg:$0x1] =	wrdreg $0xFFFFFFFF  }
0xae: {  	[dreg:$0x0] =	wrdreg $0x60  }
0xaf: {  	[dreg:$0x2] =	wrdreg s2  }
0xb0: {  	[dreg:$0x3] =	wrdreg s18  }
0xb1: {  	[dreg:$0x4] =	wrdreg s24  }
0xb2: {  	[dreg:$0x5] =	wrdreg $0x9  }
0xb3: {  	_ =	task.clear_ibuf [dreg:s8], $0x6FFFF;
	_ =	strace $0x90000046  }
0xb4: {  	s29 =	simm.s32 $0x9;
	_ =	strace $0x80000048  }
0xb5: {  	_ =	swait.ge [sflag:s29], $0x1  }
0xb6: {  	[sflag:s29] =	ssyncadd.s32 $0xFFFFFFFF  }
0xb7: {  	_ =	strace $0x90000048  }
0xb8: {  	_ =	sfence  }
0xb9: {  	s30 =	sld [smem:$0x0];
	_ =	sdelay $0x2  }
0xba: {  	s31 =	sshll.u32 s1, $0xD;
	s1 =	sshrl.u32 s1, $0x2  }
0xbb: {  	s3 =	sand.u32 $0x4000, s31;
	s1 =	sadd.s32 s1, s30  }
0xbc: {  	s0 =	sor.u32 s3, s0;
	s1 =	sshll.u32 s1, $0x11  }
0xbd: {  	s0 =	sor.u32 s1, s0  }
0xbe: {  	s0 =	sadd.s32 $0x8F2B, s0  }
0xbf: {  	[sflag:s0] =	ssyncadd.remote.s32 $0x1  }
0xc0: {  	_ =	sfence.sel $0xFFFF  }
0xc1: {  	[dreg:$0x0] =	wrdreg $0xFFFFFFFF;
	(pc) =	sbr.abs _section_cstart, $3  }
0xc2: {  	[dreg:$0x1] =	wrdreg $0xFFFFFFFF  }
0xc3: {  	_ =	task.clear_ibuf [dreg:s8], $0x2FFFF;
	_ =	strace $0x9FFFFFFF  }
0xc4: {  	(tm) =	ssettm $0x7FFFFFFF  }
0xc5: {  	_ =	shalt  }
tec
execute0_lowered:
.L_overlay_start_1:
0x0: {  	(tag) =	ssettag $0x1  }
0x1: {  	s1 =	rddreg [dreg:$0x0]  }
0x2: {  	s3 =	rddreg [dreg:$0x1];
	s0 =	srdreg.scid  }
0x3: {  	s4 =	stileid.u32;
	s2 =	rddreg [dreg:$0x2]  }
0x4: {  	s13 =	simm.s32 $0x8000;
	s14 =	simm.s32 $0x4000;
	s15 =	simm.s32 $0xC000  }
0x5: {  	s16 =	simm.s32 $0x1;
	s0 =	sand.u32 $0x1, s0;
	s4 =	sshll.u32 s4, $0x1  }
0x6: {  	s17 =	simm.s32 $0x2;
	s19 =	simm.s32 $0x3;
	s9 =	sor.u32 s0, s4  }
0x7: {  	s20 =	simm.s32 $0x0;
	s4 =	simm.s32 $0x0;
	s5 =	smul.u32 $0xD000, s9  }
0x8: {  	s0 =	ssub.s32 $0x2, s0;
	[smem:$0x7FF] =	sst s4;
	s7 =	smul.u32 $0x68000, s9  }
0x9: {  	s6 =	sshrl.u32 s0, $0x1;
	s10 =	smul.u32 $0xD0, s9;
	s11 =	sshll.u32 s9, $0x2  }
0xa: {  	_ =	strace $0x80000047;
	s0 =	ssub.s32 s0, s6;
	s11 =	sadd.s32 s2, s11  }
0xb: {  	s30 =	sadd.s32 $0x260000, s5;
	s7 =	sshrl.u32 s7, $0x3;
	s9 =	sadd.s32 $0x2610, s10  }
0xc: {  	s10 =	sadd.s32 $0x2618, s10;
	s12 =	smax.u32 s0, $0x1;
	s5 =	sadd.s32 s1, s30  }
0xd: {  	s31 =	sadd.s32 s3, s30;
	s8 =	sadd.s32 $0x260800, s7;
	[dreg:$0x4] =	wrdreg s5  }
0xe: {  	v0 =	vimm.f32 $0.0e+00;
	[dreg:$0x5] =	wrdreg s31;
	s7 =	sadd.s32 s1, s8;
	s8 =	sadd.s32 s3, s8  }
.LBB2_1:
0xf: {  	s0 =	rddreg [dreg:$0x4]  }
0x10: {  	[tilespmem:s4], [sflag:$0x1] =	stream.linear.gather [hbm4b:s0+s4], $0x4000, $0x38;
	[tilespmem:$0x10080] =	vst v63  }
0x11: {  	s31 =	rddreg [dreg:$0x5]  }
0x12: {  	[tilespmem:s13], [sflag:$0x1] =	stream.linear.gather [hbm4b:s31+s4], $0x4000, $0x38;
	[tilespmem:$0x10080] =	vst v63  }
0x13: {  	_ = 	snop  }
0x14: {  	v2 =	vimm.f32 $0.0e+00;
	v3 =	vimm.f32 $0.0e+00;
	[tilespmem:s14], [sflag:$0x2] =	stream.linear.gather [hbm4b:s7+s4], $0x4000, $0x38;
	[tilespmem:$0x10080] =	vst v63  }
0x15: {  	v4 =	vimm.f32 $0.0e+00;
	v6 =	vimm.f32 $0.0e+00;
	v8 =	vimm.f32 $0.0e+00;
	s21 =	simm.s32 $0x0  }
0x16: {  	v1 =	vimm.f32 $0.0e+00;
	v7 =	vimm.f32 $0.0e+00;
	v5 =	vimm.f32 $0.0e+00;
	[tilespmem:s15], [sflag:$0x2] =	stream.linear.gather [hbm4b:s8+s4], $0x4000, $0x38;
	[tilespmem:$0x10080] =	vst v63  }
.LBB2_2:
0x17: {  	_ =	swait.ge [sflag:s16], $0x4000  }
0x18: {  	[sflag:s16] =	ssyncset.done $0x0  }
0x19: {  	[sflag:s16] =	ssyncadd.s32 $0xFFFFC000  }
0x1a: {  	_ =	swait.ge [sflag:s16], $0x4000  }
0x1b: {  	[sflag:s16] =	ssyncset.done $0x0  }
0x1c: {  	s22 =	simm.s32 $0x0;
	s23 =	simm.s32 $0x0;
	[sflag:s16] =	ssyncadd.s32 $0xFFFFC000  }
.LBB2_3:
0x1d: {  	s25 =	sshll.u32 s23, $0x7  }
0x1e: {  	s0 =	sand.u32 $0x40, s22;
	s28 =	sor.u32 $0x30, s25  }
0x1f: {  	s2 =	sand.u32 $0x3C00, s22;
	s18 =	sor.u32 s28, s0  }
0x20: {  	s18 =	sor.u32 s2, s18  }
0x21: {  	s24 =	sor.u32 s25, s0;
	v9 =	vld [tilespmem:s18+$0x0]  }
0x22: {  	s26 =	sor.u32 $0x10, s25;
	s24 =	sor.u32 s2, s24;
	v10 =	vld [tilespmem:s18+$0x8000]  }
0x23: {  	s6 =	sor.u32 s26, s0;
	v13 =	vld [tilespmem:s24+$0x0]  }
0x24: {  	v14 =	vld [tilespmem:s24+$0x8000];
	s24 =	sor.u32 $0x20, s25;
	s18 =	sor.u32 s2, s6  }
0x25: {  	s0 =	sor.u32 s24, s0;
	v11 =	vld [tilespmem:s18+$0x0]  }
0x26: {  	s0 =	sor.u32 s2, s0;
	v12 =	vld [tilespmem:s18+$0x8000]  }
0x27: {  	s29 =	simm.s32 $0x40;
	v15 =	vsub.f32 v9, v10;
	v9 =	vld [tilespmem:s0+$0x0]  }
0x28: {  	s2 =	sand.u32 $0x40, s29;
	s29 =	simm.s32 $0x200;
	vm0 =	veq.f32 v10, $0.0e+00;
	v10 =	vld [tilespmem:s0+$0x8000]  }
0x29: {  	s30 =	simm.s32 $0x80;
	s31 =	sand.u32 $0x3C00, s29;
	vm1 =	veq.f32 v14, $0.0e+00;
	v13 =	vsub.f32 v13, v14;
	s0 =	sor.u32 s28, s2;
	v14 =	vsel vm0, $0x0, v15  }
.LBB2_4:
0x2a: {  	p0 =	sne.s32 s30, $0x7C0;
	s18 =	sor.u32 s25, s2;
	s0 =	sor.u32 s31, s0;
	v15 =	vsel vm1, $0x3F800000, v0;
	v14 =	vmul.f32 v14, v14;
	v16 =	vsel vm0, $0x3F800000, v0  }
0x2b: {  	s5 =	sor.u32 s26, s2;
	s2 =	sor.u32 s24, s2;
	s18 =	sor.u32 s31, s18;
	v17 =	vld [tilespmem:s0+$0x0];
	v13 =	vsel vm1, $0x0, v13;
	vm0 =	veq.f32 v12, $0.0e+00;
	v11 =	vsub.f32 v11, v12  }
0x2c: {  	s5 =	sor.u32 s31, s5;
	s31 =	sor.u32 s31, s2;
	v18 =	vld [tilespmem:s0+$0x8000];
	v12 =	vmul.f32 v13, v13;
	v13 =	vsel vm0, $0x3F800000, v0;
	v8 =	vadd.f32 v14, v8  }
0x2d: {  	v14 =	vld [tilespmem:s18+$0x0];
	v11 =	vsel vm0, $0x0, v11;
	vm0 =	veq.f32 v10, $0.0e+00;
	v9 =	vsub.f32 v9, v10  }
0x2e: {  	v19 =	vld [tilespmem:s18+$0x8000];
	v5 =	vadd.f32 v12, v5;
	v10 =	vmul.f32 v11, v11;
	v20 =	vsel vm0, $0x3F800000, v0  }
.Ltmp0:
0x2f: {  	v6 =	vadd.f32 v15, v6;
	v4 =	vadd.f32 v13, v4;
	v11 =	vld [tilespmem:s5+$0x0];
	v9 =	vsel vm0, $0x0, v9;
	(pc) =	sbr.rel @p0 .LBB2_4-.Ltmp0, $4  }
0x30: {  	v3 =	vadd.f32 v20, v3;
	v12 =	vld [tilespmem:s5+$0x8000];
	v7 =	vadd.f32 v10, v7;
	v13 =	vmul.f32 v9, v9  }
0x31: {  	v2 =	vadd.f32 v16, v2;
	v9 =	vld [tilespmem:s31+$0x0];
	v15 =	vsub.f32 v17, v18  }
0x32: {  	s29 =	sadd.s32 $0x200, s29;
	s2 =	sand.u32 $0x40, s30;
	vm0 =	veq.f32 v18, $0.0e+00;
	v10 =	vld [tilespmem:s31+$0x8000];
	v1 =	vadd.f32 v13, v1  }
0x33: {  	s30 =	sadd.s32 $0x40, s30;
	s0 =	sor.u32 s28, s2;
	s31 =	sand.u32 $0x3C00, s29;
	vm1 =	veq.f32 v19, $0.0e+00;
	v13 =	vsub.f32 v14, v19;
	v14 =	vsel vm0, $0x0, v15  }
0x34: {  	s0 =	sor.u32 s31, s0  }
0x35: {  	s5 =	sor.u32 s25, s2;
	v15 =	vsel vm1, $0x3F800000, v0;
	v14 =	vmul.f32 v14, v14;
	v16 =	vld [tilespmem:s0+$0x0]  }
0x36: {  	v18 =	vsel vm0, $0x3F800000, v0;
	s5 =	sor.u32 s31, s5;
	v13 =	vsel vm1, $0x0, v13;
	v11 =	vsub.f32 v11, v12;
	v17 =	vld [tilespmem:s0+$0x8000]  }
0x37: {  	s29 =	sor.u32 s26, s2;
	vm10 =	veq.f32 v12, $0.0e+00;
	v6 =	vadd.f32 v15, v6;
	v2 =	vadd.f32 v18, v2;
	v55 =	vld [tilespmem:s5+$0x0]  }
0x38: {  	s30 =	sor.u32 s24, s2;
	s0 =	sor.u32 s31, s29;
	v54 =	vmul.f32 v13, v13;
	v19 =	vsel vm10, $0x3F800000, v0;
	v8 =	vadd.f32 v14, v8;
	v56 =	vld [tilespmem:s5+$0x8000]  }
0x39: {  	s2 =	sor.u32 s31, s30;
	v58 =	vld [tilespmem:s0+$0x8000];
	v11 =	vsel vm10, $0x0, v11;
	vm11 =	veq.f32 v10, $0.0e+00;
	v9 =	vsub.f32 v9, v10  }
0x3a: {  	v60 =	vld [tilespmem:s2+$0x8000];
	v4 =	vadd.f32 v19, v4;
	v10 =	vmul.f32 v11, v11;
	v57 =	vsel vm11, $0x3F800000, v0  }
0x3b: {  	v11 =	vld [tilespmem:s0+$0x0];
	v5 =	vadd.f32 v54, v5;
	v9 =	vsel vm11, $0x0, v9;
	v3 =	vadd.f32 v57, v3  }
0x3c: {  	v7 =	vadd.f32 v10, v7;
	v10 =	vld [tilespmem:s2+$0x0];
	v9 =	vmul.f32 v9, v9;
	v59 =	vsub.f32 v16, v17  }
0x3d: {  	vm12 =	veq.f32 v17, $0.0e+00;
	v13 =	vsub.f32 v55, v56;
	vm13 =	veq.f32 v56, $0.0e+00  }
0x3e: {  	vm14 =	veq.f32 v58, $0.0e+00;
	v1 =	vadd.f32 v9, v1;
	v9 =	vsel vm12, $0x0, v59  }
0x3f: {  	vm15 =	veq.f32 v60, $0.0e+00;
	v63 =	vsel vm12, $0x3F800000, v0;
	v9 =	vmul.f32 v9, v9  }
0x40: {  	s23 =	sadd.s32 $0x1, s23;
	v61 =	vsel vm13, $0x3F800000, v0;
	v2 =	vadd.f32 v63, v2;
	v11 =	vsub.f32 v11, v58  }
0x41: {  	p0 =	sne.s32 s23, $0x8;
	v62 =	vsel vm14, $0x3F800000, v0;
	v8 =	vadd.f32 v9, v8;
	v9 =	vsub.f32 v10, v60  }
.Ltmp1:
0x42: {  	v13 =	vsel vm13, $0x0, v13;
	v6 =	vadd.f32 v61, v6;
	v4 =	vadd.f32 v62, v4;
	(pc) =	sbr.rel @p0 .LBB2_3-.Ltmp1, $4  }
0x43: {  	v13 =	vmul.f32 v13, v13;
	v10 =	vsel vm14, $0x0, v11;
	v9 =	vsel vm15, $0x0, v9  }
0x44: {  	v11 =	vsel vm15, $0x3F800000, v0;
	v10 =	vmul.f32 v10, v10;
	v9 =	vmul.f32 v9, v9  }
0x45: {  	v5 =	vadd.f32 v13, v5;
	v3 =	vadd.f32 v11, v3  }
0x46: {  	v7 =	vadd.f32 v10, v7;
	v1 =	vadd.f32 v9, v1  }
0x47: {  	s22 =	sshll.u32 s21, $0x4  }
0x48: {  	s0 =	sadd.s32 s22, s9  }
0x49: {  	s0 =	sshll.u32 s0, $0x8  }
0x4a: {  	s23 =	simm.s32 $0x0;
	s2 =	sadd.s32 s1, s0  }
0x4b: {  	[tilespmem:s23], [sflag:$0x1] =	stream.linear.gather [hbm4b:s2+s23], $0x4000, $0x38;
	[tilespmem:$0x10080] =	vst v63  }
0x4c: {  	s0 =	sadd.s32 s3, s0  }
0x4d: {  	[tilespmem:s13], [sflag:$0x1] =	stream.linear.gather [hbm4b:s0+s23], $0x4000, $0x38;
	[tilespmem:$0x10080] =	vst v63  }
0x4e: {  	_ =	swait.ge [sflag:s17], $0x4000  }
0x4f: {  	[sflag:s17] =	ssyncset.done $0x0  }
0x50: {  	[sflag:s17] =	ssyncadd.s32 $0xFFFFC000  }
0x51: {  	_ =	swait.ge [sflag:s17], $0x4000  }
0x52: {  	[sflag:s17] =	ssyncset.done $0x0  }
0x53: {  	s24 =	simm.s32 $0x0;
	[sflag:s17] =	ssyncadd.s32 $0xFFFFC000  }
.LBB2_7:
0x54: {  	s26 =	sshll.u32 s24, $0x7  }
0x55: {  	s0 =	sand.u32 $0x40, s23;
	s29 =	sor.u32 $0x30, s26  }
0x56: {  	s2 =	sand.u32 $0x3C00, s23;
	s5 =	sor.u32 s29, s0  }
0x57: {  	s5 =	sor.u32 s2, s5  }
0x58: {  	s18 =	sor.u32 s26, s0;
	v9 =	vld [tilespmem:s5+$0x4000]  }
0x59: {  	s28 =	sor.u32 $0x10, s26;
	s18 =	sor.u32 s2, s18;
	v10 =	vld [tilespmem:s5+$0xC000]  }
0x5a: {  	s6 =	sor.u32 s28, s0;
	v13 =	vld [tilespmem:s18+$0x4000]  }
0x5b: {  	s25 =	sor.u32 $0x20, s26;
	v14 =	vld [tilespmem:s18+$0xC000];
	s5 =	sor.u32 s2, s6  }
0x5c: {  	s0 =	sor.u32 s25, s0;
	v11 =	vld [tilespmem:s5+$0x4000]  }
0x5d: {  	s2 =	sor.u32 s2, s0;
	v12 =	vld [tilespmem:s5+$0xC000]  }
0x5e: {  	s6 =	simm.s32 $0x40;
	v15 =	vsub.f32 v9, v10;
	v9 =	vld [tilespmem:s2+$0x4000]  }
0x5f: {  	s30 =	simm.s32 $0x200;
	s0 =	sand.u32 $0x40, s6;
	vm0 =	veq.f32 v10, $0.0e+00;
	v10 =	vld [tilespmem:s2+$0xC000]  }
0x60: {  	s31 =	simm.s32 $0x80;
	s18 =	sor.u32 s29, s0;
	vm1 =	veq.f32 v14, $0.0e+00;
	v13 =	vsub.f32 v13, v14;
	s2 =	sand.u32 $0x3C00, s30;
	v14 =	vsel vm0, $0x0, v15  }
.LBB2_8:
0x61: {  	p0 =	sne.s32 s31, $0x7C0;
	s5 =	sor.u32 s26, s0;
	s18 =	sor.u32 s2, s18;
	v15 =	vsel vm1, $0x3F800000, v0;
	v14 =	vmul.f32 v14, v14;
	v16 =	vsel vm0, $0x3F800000, v0  }
0x62: {  	s6 =	sor.u32 s28, s0;
	s0 =	sor.u32 s25, s0;
	s5 =	sor.u32 s2, s5;
	v17 =	vld [tilespmem:s18+$0x4000];
	v13 =	vsel vm1, $0x0, v13;
	vm0 =	veq.f32 v12, $0.0e+00;
	v11 =	vsub.f32 v11, v12  }
0x63: {  	s6 =	sor.u32 s2, s6;
	s2 =	sor.u32 s2, s0;
	v18 =	vld [tilespmem:s18+$0xC000];
	v12 =	vmul.f32 v13, v13;
	v13 =	vsel vm0, $0x3F800000, v0;
	v8 =	vadd.f32 v14, v8  }
0x64: {  	v14 =	vld [tilespmem:s5+$0x4000];
	v11 =	vsel vm0, $0x0, v11;
	vm0 =	veq.f32 v10, $0.0e+00;
	v9 =	vsub.f32 v9, v10  }
0x65: {  	v19 =	vld [tilespmem:s5+$0xC000];
	v5 =	vadd.f32 v12, v5;
	v10 =	vmul.f32 v11, v11;
	v20 =	vsel vm0, $0x3F800000, v0  }
.Ltmp2:
0x66: {  	v6 =	vadd.f32 v15, v6;
	v4 =	vadd.f32 v13, v4;
	v11 =	vld [tilespmem:s6+$0x4000];
	v9 =	vsel vm0, $0x0, v9;
	(pc) =	sbr.rel @p0 .LBB2_8-.Ltmp2, $4  }
0x67: {  	v3 =	vadd.f32 v20, v3;
	v12 =	vld [tilespmem:s6+$0xC000];
	v7 =	vadd.f32 v10, v7;
	v13 =	vmul.f32 v9, v9  }
0x68: {  	v2 =	vadd.f32 v16, v2;
	v9 =	vld [tilespmem:s2+$0x4000];
	v15 =	vsub.f32 v17, v18  }
0x69: {  	s30 =	sadd.s32 $0x200, s30;
	s0 =	sand.u32 $0x40, s31;
	vm0 =	veq.f32 v18, $0.0e+00;
	v10 =	vld [tilespmem:s2+$0xC000];
	v1 =	vadd.f32 v13, v1  }
0x6a: {  	s31 =	sadd.s32 $0x40, s31;
	s18 =	sor.u32 s29, s0;
	s2 =	sand.u32 $0x3C00, s30;
	vm1 =	veq.f32 v19, $0.0e+00;
	v13 =	vsub.f32 v14, v19;
	v14 =	vsel vm0, $0x0, v15  }
0x6b: {  	s5 =	sor.u32 s2, s18  }
0x6c: {  	s6 =	sor.u32 s26, s0;
	v15 =	vsel vm1, $0x3F800000, v0;
	v14 =	vmul.f32 v14, v14;
	v16 =	vld [tilespmem:s5+$0x4000]  }
0x6d: {  	v18 =	vsel vm0, $0x3F800000, v0;
	s6 =	sor.u32 s2, s6;
	v13 =	vsel vm1, $0x0, v13;
	v11 =	vsub.f32 v11, v12;
	v17 =	vld [tilespmem:s5+$0xC000]  }
0x6e: {  	s30 =	sor.u32 s28, s0;
	vm10 =	veq.f32 v12, $0.0e+00;
	v6 =	vadd.f32 v15, v6;
	v2 =	vadd.f32 v18, v2;
	v55 =	vld [tilespmem:s6+$0x4000]  }
0x6f: {  	s31 =	sor.u32 s25, s0;
	s5 =	sor.u32 s2, s30;
	v54 =	vmul.f32 v13, v13;
	v19 =	vsel vm10, $0x3F800000, v0;
	v8 =	vadd.f32 v14, v8;
	v56 =	vld [tilespmem:s6+$0xC000]  }
0x70: {  	s0 =	sor.u32 s2, s31;
	v58 =	vld [tilespmem:s5+$0xC000];
	v11 =	vsel vm10, $0x0, v11;
	vm11 =	veq.f32 v10, $0.0e+00;
	v9 =	vsub.f32 v9, v10  }
0x71: {  	v60 =	vld [tilespmem:s0+$0xC000];
	v4 =	vadd.f32 v19, v4;
	v10 =	vmul.f32 v11, v11;
	v57 =	vsel vm11, $0x3F800000, v0  }
0x72: {  	v11 =	vld [tilespmem:s5+$0x4000];
	v5 =	vadd.f32 v54, v5;
	v9 =	vsel vm11, $0x0, v9;
	v3 =	vadd.f32 v57, v3  }
0x73: {  	v7 =	vadd.f32 v10, v7;
	v10 =	vld [tilespmem:s0+$0x4000];
	v9 =	vmul.f32 v9, v9;
	v59 =	vsub.f32 v16, v17  }
0x74: {  	vm12 =	veq.f32 v17, $0.0e+00;
	v13 =	vsub.f32 v55, v56;
	vm13 =	veq.f32 v56, $0.0e+00  }
0x75: {  	vm14 =	veq.f32 v58, $0.0e+00;
	v1 =	vadd.f32 v9, v1;
	v9 =	vsel vm12, $0x0, v59  }
0x76: {  	vm15 =	veq.f32 v60, $0.0e+00;
	v63 =	vsel vm12, $0x3F800000, v0;
	v9 =	vmul.f32 v9, v9  }
0x77: {  	s24 =	sadd.s32 $0x1, s24;
	v61 =	vsel vm13, $0x3F800000, v0;
	v2 =	vadd.f32 v63, v2;
	v11 =	vsub.f32 v11, v58  }
0x78: {  	p0 =	sne.s32 s24, $0x8;
	v62 =	vsel vm14, $0x3F800000, v0;
	v8 =	vadd.f32 v9, v8;
	v9 =	vsub.f32 v10, v60  }
.Ltmp3:
0x79: {  	v13 =	vsel vm13, $0x0, v13;
	v6 =	vadd.f32 v61, v6;
	v4 =	vadd.f32 v62, v4;
	(pc) =	sbr.rel @p0 .LBB2_7-.Ltmp3, $4  }
0x7a: {  	v13 =	vmul.f32 v13, v13;
	v10 =	vsel vm14, $0x0, v11;
	v9 =	vsel vm15, $0x0, v9  }
0x7b: {  	v11 =	vsel vm15, $0x3F800000, v0;
	v10 =	vmul.f32 v10, v10;
	v9 =	vmul.f32 v9, v9  }
0x7c: {  	v5 =	vadd.f32 v13, v5;
	v3 =	vadd.f32 v11, v3  }
0x7d: {  	v7 =	vadd.f32 v10, v7;
	v1 =	vadd.f32 v9, v1  }
0x7e: {  	s21 =	sadd.s32 $0x1, s21  }
0x7f: {  	s0 =	sadd.s32 s22, s10;
	p0 =	sne.s32 s21, $0xC  }
.Ltmp4:
0x80: {  	s0 =	sshll.u32 s0, $0x8;
	(pc) =	sbr.rel @p0 .LBB2_2-.Ltmp4, $4  }
0x81: {  	s2 =	sadd.s32 s1, s0  }
0x82: {  	[tilespmem:s14], [sflag:$0x2] =	stream.linear.gather [hbm4b:s2+s4], $0x4000, $0x38;
	[tilespmem:$0x10080] =	vst v63  }
0x83: {  	s0 =	sadd.s32 s3, s0  }
0x84: {  	[tilespmem:s15], [sflag:$0x2] =	stream.linear.gather [hbm4b:s0+s4], $0x4000, $0x38;
	[tilespmem:$0x10080] =	vst v63  }
0x85: {  	_ =	swait.ge [sflag:s16], $0x4000  }
0x86: {  	[sflag:s16] =	ssyncset.done $0x0  }
0x87: {  	[sflag:s16] =	ssyncadd.s32 $0xFFFFC000  }
0x88: {  	_ =	swait.ge [sflag:s16], $0x4000  }
0x89: {  	[sflag:s16] =	ssyncset.done $0x0  }
0x8a: {  	s21 =	simm.s32 $0x0;
	s22 =	simm.s32 $0x0;
	[sflag:s16] =	ssyncadd.s32 $0xFFFFC000  }
.LBB2_12:
0x8b: {  	s24 =	sshll.u32 s22, $0x7  }
0x8c: {  	s0 =	sand.u32 $0x40, s21;
	s26 =	sor.u32 $0x30, s24  }
0x8d: {  	s2 =	sand.u32 $0x3C00, s21;
	s5 =	sor.u32 s26, s0  }
0x8e: {  	s5 =	sor.u32 s2, s5  }
0x8f: {  	s6 =	sor.u32 s24, s0;
	v9 =	vld [tilespmem:s5+$0x0]  }
0x90: {  	s25 =	sor.u32 $0x10, s24;
	s6 =	sor.u32 s2, s6;
	v10 =	vld [tilespmem:s5+$0x8000]  }
0x91: {  	s30 =	sor.u32 s25, s0;
	v13 =	vld [tilespmem:s6+$0x0]  }
0x92: {  	s23 =	sor.u32 $0x20, s24;
	v14 =	vld [tilespmem:s6+$0x8000];
	s5 =	sor.u32 s2, s30  }
0x93: {  	s0 =	sor.u32 s23, s0;
	v11 =	vld [tilespmem:s5+$0x0]  }
0x94: {  	s2 =	sor.u32 s2, s0;
	v12 =	vld [tilespmem:s5+$0x8000]  }
0x95: {  	s31 =	simm.s32 $0x40;
	v15 =	vsub.f32 v9, v10;
	v9 =	vld [tilespmem:s2+$0x0]  }
0x96: {  	s28 =	simm.s32 $0x200;
	s0 =	sand.u32 $0x40, s31;
	vm0 =	veq.f32 v10, $0.0e+00;
	v10 =	vld [tilespmem:s2+$0x8000]  }
0x97: {  	s29 =	simm.s32 $0x80;
	s18 =	sor.u32 s26, s0;
	vm1 =	veq.f32 v14, $0.0e+00;
	v13 =	vsub.f32 v13, v14;
	s2 =	sand.u32 $0x3C00, s28;
	v14 =	vsel vm0, $0x0, v15  }
.LBB2_13:
0x98: {  	p0 =	sne.s32 s29, $0x7C0;
	s5 =	sor.u32 s24, s0;
	s6 =	sor.u32 s2, s18;
	v15 =	vsel vm1, $0x3F800000, v0;
	v14 =	vmul.f32 v14, v14;
	v16 =	vsel vm0, $0x3F800000, v0  }
0x99: {  	s18 =	sor.u32 s25, s0;
	s0 =	sor.u32 s23, s0;
	s5 =	sor.u32 s2, s5;
	v17 =	vld [tilespmem:s6+$0x0];
	v13 =	vsel vm1, $0x0, v13;
	vm0 =	veq.f32 v12, $0.0e+00;
	v11 =	vsub.f32 v11, v12  }
0x9a: {  	s18 =	sor.u32 s2, s18;
	s2 =	sor.u32 s2, s0;
	v18 =	vld [tilespmem:s6+$0x8000];
	v12 =	vmul.f32 v13, v13;
	v13 =	vsel vm0, $0x3F800000, v0;
	v8 =	vadd.f32 v14, v8  }
0x9b: {  	v14 =	vld [tilespmem:s5+$0x0];
	v11 =	vsel vm0, $0x0, v11;
	vm0 =	veq.f32 v10, $0.0e+00;
	v9 =	vsub.f32 v9, v10  }
0x9c: {  	v19 =	vld [tilespmem:s5+$0x8000];
	v5 =	vadd.f32 v12, v5;
	v10 =	vmul.f32 v11, v11;
	v20 =	vsel vm0, $0x3F800000, v0  }
.Ltmp5:
0x9d: {  	v6 =	vadd.f32 v15, v6;
	v4 =	vadd.f32 v13, v4;
	v11 =	vld [tilespmem:s18+$0x0];
	v9 =	vsel vm0, $0x0, v9;
	(pc) =	sbr.rel @p0 .LBB2_13-.Ltmp5, $4  }
0x9e: {  	v3 =	vadd.f32 v20, v3;
	v12 =	vld [tilespmem:s18+$0x8000];
	v7 =	vadd.f32 v10, v7;
	v13 =	vmul.f32 v9, v9  }
0x9f: {  	v2 =	vadd.f32 v16, v2;
	v9 =	vld [tilespmem:s2+$0x0];
	v15 =	vsub.f32 v17, v18  }
0xa0: {  	s28 =	sadd.s32 $0x200, s28;
	s0 =	sand.u32 $0x40, s29;
	vm0 =	veq.f32 v18, $0.0e+00;
	v10 =	vld [tilespmem:s2+$0x8000];
	v1 =	vadd.f32 v13, v1  }
0xa1: {  	s29 =	sadd.s32 $0x40, s29;
	s18 =	sor.u32 s26, s0;
	s2 =	sand.u32 $0x3C00, s28;
	vm1 =	veq.f32 v19, $0.0e+00;
	v13 =	vsub.f32 v14, v19;
	v14 =	vsel vm0, $0x0, v15  }
0xa2: {  	s5 =	sor.u32 s2, s18  }
0xa3: {  	s6 =	sor.u32 s24, s0;
	v15 =	vsel vm1, $0x3F800000, v0;
	v14 =	vmul.f32 v14, v14;
	v16 =	vld [tilespmem:s5+$0x0]  }
0xa4: {  	v18 =	vsel vm0, $0x3F800000, v0;
	s6 =	sor.u32 s2, s6;
	v13 =	vsel vm1, $0x0, v13;
	v11 =	vsub.f32 v11, v12;
	v17 =	vld [tilespmem:s5+$0x8000]  }
0xa5: {  	s30 =	sor.u32 s25, s0;
	vm10 =	veq.f32 v12, $0.0e+00;
	v6 =	vadd.f32 v15, v6;
	v2 =	vadd.f32 v18, v2;
	v55 =	vld [tilespmem:s6+$0x0]  }
0xa6: {  	s31 =	sor.u32 s23, s0;
	s5 =	sor.u32 s2, s30;
	v54 =	vmul.f32 v13, v13;
	v19 =	vsel vm10, $0x3F800000, v0;
	v8 =	vadd.f32 v14, v8;
	v56 =	vld [tilespmem:s6+$0x8000]  }
0xa7: {  	s0 =	sor.u32 s2, s31;
	v58 =	vld [tilespmem:s5+$0x8000];
	v11 =	vsel vm10, $0x0, v11;
	vm11 =	veq.f32 v10, $0.0e+00;
	v9 =	vsub.f32 v9, v10  }
0xa8: {  	v60 =	vld [tilespmem:s0+$0x8000];
	v4 =	vadd.f32 v19, v4;
	v10 =	vmul.f32 v11, v11;
	v57 =	vsel vm11, $0x3F800000, v0  }
0xa9: {  	v11 =	vld [tilespmem:s5+$0x0];
	v5 =	vadd.f32 v54, v5;
	v9 =	vsel vm11, $0x0, v9;
	v3 =	vadd.f32 v57, v3  }
0xaa: {  	v7 =	vadd.f32 v10, v7;
	v10 =	vld [tilespmem:s0+$0x0];
	v9 =	vmul.f32 v9, v9;
	v59 =	vsub.f32 v16, v17  }
0xab: {  	vm12 =	veq.f32 v17, $0.0e+00;
	v13 =	vsub.f32 v55, v56;
	vm13 =	veq.f32 v56, $0.0e+00  }
0xac: {  	vm14 =	veq.f32 v58, $0.0e+00;
	v1 =	vadd.f32 v9, v1;
	v9 =	vsel vm12, $0x0, v59  }
0xad: {  	vm15 =	veq.f32 v60, $0.0e+00;
	v63 =	vsel vm12, $0x3F800000, v0;
	v9 =	vmul.f32 v9, v9  }
0xae: {  	s22 =	sadd.s32 $0x1, s22;
	v61 =	vsel vm13, $0x3F800000, v0;
	v2 =	vadd.f32 v63, v2;
	v11 =	vsub.f32 v11, v58  }
0xaf: {  	p0 =	sne.s32 s22, $0x8;
	v62 =	vsel vm14, $0x3F800000, v0;
	v8 =	vadd.f32 v9, v8;
	v9 =	vsub.f32 v10, v60  }
.Ltmp6:
0xb0: {  	v13 =	vsel vm13, $0x0, v13;
	v6 =	vadd.f32 v61, v6;
	v4 =	vadd.f32 v62, v4;
	(pc) =	sbr.rel @p0 .LBB2_12-.Ltmp6, $4  }
0xb1: {  	v13 =	vmul.f32 v13, v13;
	v10 =	vsel vm14, $0x0, v11;
	v9 =	vsel vm15, $0x0, v9  }
0xb2: {  	v11 =	vsel vm15, $0x3F800000, v0;
	v10 =	vmul.f32 v10, v10;
	v9 =	vmul.f32 v9, v9  }
0xb3: {  	v5 =	vadd.f32 v13, v5;
	v3 =	vadd.f32 v11, v3  }
0xb4: {  	v7 =	vadd.f32 v10, v7;
	v1 =	vadd.f32 v9, v1  }
0xb5: {  	_ =	swait.ge [sflag:s17], $0x4000  }
0xb6: {  	[sflag:s17] =	ssyncset.done $0x0  }
0xb7: {  	[sflag:s17] =	ssyncadd.s32 $0xFFFFC000  }
0xb8: {  	_ =	swait.ge [sflag:s17], $0x4000  }
0xb9: {  	[sflag:s17] =	ssyncset.done $0x0  }
0xba: {  	s21 =	simm.s32 $0x0;
	s22 =	simm.s32 $0x0;
	[sflag:s17] =	ssyncadd.s32 $0xFFFFC000  }
.LBB2_16:
0xbb: {  	s24 =	sshll.u32 s22, $0x7  }
0xbc: {  	s0 =	sand.u32 $0x40, s21;
	s26 =	sor.u32 $0x30, s24  }
0xbd: {  	s2 =	sand.u32 $0x3C00, s21;
	s5 =	sor.u32 s26, s0  }
0xbe: {  	s5 =	sor.u32 s2, s5  }
0xbf: {  	s6 =	sor.u32 s24, s0;
	v9 =	vld [tilespmem:s5+$0x4000]  }
0xc0: {  	s25 =	sor.u32 $0x10, s24;
	s6 =	sor.u32 s2, s6;
	v10 =	vld [tilespmem:s5+$0xC000]  }
0xc1: {  	s30 =	sor.u32 s25, s0;
	v13 =	vld [tilespmem:s6+$0x4000]  }
0xc2: {  	s23 =	sor.u32 $0x20, s24;
	v14 =	vld [tilespmem:s6+$0xC000];
	s5 =	sor.u32 s2, s30  }
0xc3: {  	s0 =	sor.u32 s23, s0;
	v11 =	vld [tilespmem:s5+$0x4000]  }
0xc4: {  	s2 =	sor.u32 s2, s0;
	v12 =	vld [tilespmem:s5+$0xC000]  }
0xc5: {  	s31 =	simm.s32 $0x40;
	v15 =	vsub.f32 v9, v10;
	v9 =	vld [tilespmem:s2+$0x4000]  }
0xc6: {  	s28 =	simm.s32 $0x200;
	s0 =	sand.u32 $0x40, s31;
	vm0 =	veq.f32 v10, $0.0e+00;
	v10 =	vld [tilespmem:s2+$0xC000]  }
0xc7: {  	s29 =	simm.s32 $0x80;
	s18 =	sor.u32 s26, s0;
	vm1 =	veq.f32 v14, $0.0e+00;
	v13 =	vsub.f32 v13, v14;
	s2 =	sand.u32 $0x3C00, s28;
	v14 =	vsel vm0, $0x0, v15  }
.LBB2_17:
0xc8: {  	p0 =	sne.s32 s29, $0x7C0;
	s5 =	sor.u32 s24, s0;
	s6 =	sor.u32 s2, s18;
	v15 =	vsel vm1, $0x3F800000, v0;
	v14 =	vmul.f32 v14, v14;
	v16 =	vsel vm0, $0x3F800000, v0  }
0xc9: {  	s18 =	sor.u32 s25, s0;
	s0 =	sor.u32 s23, s0;
	s5 =	sor.u32 s2, s5;
	v17 =	vld [tilespmem:s6+$0x4000];
	v13 =	vsel vm1, $0x0, v13;
	vm0 =	veq.f32 v12, $0.0e+00;
	v11 =	vsub.f32 v11, v12  }
0xca: {  	s18 =	sor.u32 s2, s18;
	s2 =	sor.u32 s2, s0;
	v18 =	vld [tilespmem:s6+$0xC000];
	v12 =	vmul.f32 v13, v13;
	v13 =	vsel vm0, $0x3F800000, v0;
	v8 =	vadd.f32 v14, v8  }
0xcb: {  	v14 =	vld [tilespmem:s5+$0x4000];
	v11 =	vsel vm0, $0x0, v11;
	vm0 =	veq.f32 v10, $0.0e+00;
	v9 =	vsub.f32 v9, v10  }
0xcc: {  	v19 =	vld [tilespmem:s5+$0xC000];
	v5 =	vadd.f32 v12, v5;
	v10 =	vmul.f32 v11, v11;
	v20 =	vsel vm0, $0x3F800000, v0  }
.Ltmp7:
0xcd: {  	v6 =	vadd.f32 v15, v6;
	v4 =	vadd.f32 v13, v4;
	v11 =	vld [tilespmem:s18+$0x4000];
	v9 =	vsel vm0, $0x0, v9;
	(pc) =	sbr.rel @p0 .LBB2_17-.Ltmp7, $4  }
0xce: {  	v3 =	vadd.f32 v20, v3;
	v12 =	vld [tilespmem:s18+$0xC000];
	v7 =	vadd.f32 v10, v7;
	v13 =	vmul.f32 v9, v9  }
0xcf: {  	v2 =	vadd.f32 v16, v2;
	v9 =	vld [tilespmem:s2+$0x4000];
	v15 =	vsub.f32 v17, v18  }
0xd0: {  	s28 =	sadd.s32 $0x200, s28;
	s0 =	sand.u32 $0x40, s29;
	vm0 =	veq.f32 v18, $0.0e+00;
	v10 =	vld [tilespmem:s2+$0xC000];
	v1 =	vadd.f32 v13, v1  }
0xd1: {  	s29 =	sadd.s32 $0x40, s29;
	s18 =	sor.u32 s26, s0;
	s2 =	sand.u32 $0x3C00, s28;
	vm1 =	veq.f32 v19, $0.0e+00;
	v13 =	vsub.f32 v14, v19;
	v14 =	vsel vm0, $0x0, v15  }
0xd2: {  	s5 =	sor.u32 s2, s18  }
0xd3: {  	s6 =	sor.u32 s24, s0;
	v15 =	vsel vm1, $0x3F800000, v0;
	v14 =	vmul.f32 v14, v14;
	v16 =	vld [tilespmem:s5+$0x4000]  }
0xd4: {  	v18 =	vsel vm0, $0x3F800000, v0;
	s6 =	sor.u32 s2, s6;
	v13 =	vsel vm1, $0x0, v13;
	v11 =	vsub.f32 v11, v12;
	v17 =	vld [tilespmem:s5+$0xC000]  }
0xd5: {  	s30 =	sor.u32 s25, s0;
	vm10 =	veq.f32 v12, $0.0e+00;
	v6 =	vadd.f32 v15, v6;
	v2 =	vadd.f32 v18, v2;
	v55 =	vld [tilespmem:s6+$0x4000]  }
0xd6: {  	s31 =	sor.u32 s23, s0;
	s5 =	sor.u32 s2, s30;
	v54 =	vmul.f32 v13, v13;
	v19 =	vsel vm10, $0x3F800000, v0;
	v8 =	vadd.f32 v14, v8;
	v56 =	vld [tilespmem:s6+$0xC000]  }
0xd7: {  	s0 =	sor.u32 s2, s31;
	v58 =	vld [tilespmem:s5+$0xC000];
	v11 =	vsel vm10, $0x0, v11;
	vm11 =	veq.f32 v10, $0.0e+00;
	v9 =	vsub.f32 v9, v10  }
0xd8: {  	v60 =	vld [tilespmem:s0+$0xC000];
	v4 =	vadd.f32 v19, v4;
	v10 =	vmul.f32 v11, v11;
	v57 =	vsel vm11, $0x3F800000, v0  }
0xd9: {  	v11 =	vld [tilespmem:s5+$0x4000];
	v5 =	vadd.f32 v54, v5;
	v9 =	vsel vm11, $0x0, v9;
	v3 =	vadd.f32 v57, v3  }
0xda: {  	v7 =	vadd.f32 v10, v7;
	v10 =	vld [tilespmem:s0+$0x4000];
	v9 =	vmul.f32 v9, v9;
	v59 =	vsub.f32 v16, v17  }
0xdb: {  	vm12 =	veq.f32 v17, $0.0e+00;
	v13 =	vsub.f32 v55, v56;
	vm13 =	veq.f32 v56, $0.0e+00  }
0xdc: {  	vm14 =	veq.f32 v58, $0.0e+00;
	v1 =	vadd.f32 v9, v1;
	v9 =	vsel vm12, $0x0, v59  }
0xdd: {  	vm15 =	veq.f32 v60, $0.0e+00;
	v63 =	vsel vm12, $0x3F800000, v0;
	v9 =	vmul.f32 v9, v9  }
0xde: {  	s22 =	sadd.s32 $0x1, s22;
	v61 =	vsel vm13, $0x3F800000, v0;
	v2 =	vadd.f32 v63, v2;
	v11 =	vsub.f32 v11, v58  }
0xdf: {  	p0 =	sne.s32 s22, $0x8;
	v62 =	vsel vm14, $0x3F800000, v0;
	v8 =	vadd.f32 v9, v8;
	v9 =	vsub.f32 v10, v60  }
.Ltmp8:
0xe0: {  	v13 =	vsel vm13, $0x0, v13;
	v6 =	vadd.f32 v61, v6;
	v4 =	vadd.f32 v62, v4;
	(pc) =	sbr.rel @p0 .LBB2_16-.Ltmp8, $4  }
0xe1: {  	v13 =	vmul.f32 v13, v13;
	v10 =	vsel vm14, $0x0, v11;
	v9 =	vsel vm15, $0x0, v9  }
0xe2: {  	v11 =	vsel vm15, $0x3F800000, v0;
	v10 =	vmul.f32 v10, v10;
	v9 =	vmul.f32 v9, v9  }
0xe3: {  	v5 =	vadd.f32 v13, v5;
	v3 =	vadd.f32 v11, v3  }
0xe4: {  	v7 =	vadd.f32 v10, v7;
	v1 =	vadd.f32 v9, v1  }
0xe5: {  	v4 =	vadd.f32 v4, v6;
	v2 =	vadd.f32 v2, v3  }
0xe6: {  	v5 =	vadd.f32 v7, v5;
	v1 =	vadd.f32 v8, v1  }
0xe7: {  	v2 =	vadd.f32 v2, v4  }
0xe8: {  	s20 =	sadd.s32 $0x1, s20;
	v1 =	vadd.f32 v1, v5  }
0xe9: {  	p0 =	sne.s32 s20, s12;
	[tilespmem:$0x10010] =	vst v2  }
.Ltmp9:
0xea: {  	s0 =	simm.s32 $0x10000;
	[tilespmem:$0x10000] =	vst v1;
	(pc) =	sbr.rel @p0 .LBB2_1-.Ltmp9, $4  }
0xeb: {  	[hbm4b:s11+s4] =	stream.linear.scatter [tilespmem:s0], [sflag:$0x3], $0x20, $0x38;
	[tilespmem:$0x10080] =	vst v63  }
0xec: {  	_ =	swait.ge [sflag:s19], $0x20  }
0xed: {  	[sflag:s19] =	ssyncset.done $0x0  }
0xee: {  	[sflag:s19] =	ssyncadd.s32 $0xFFFFFFE0  }
0xef: {  	_ =	sfence.sel $0x180000  }
0xf0: {  	[bflag:$0x0] =	sbarrier.arrive $0xFFFF  }
0xf1: {  	_ =	strace $0x90000047  }
0xf2: {  	s0 =	stileid.u32;
	[bflag:$0x2] =	sbarrier.arrive $0xFFFF  }
0xf3: {  	p0 =	sne.s32 s0, $0x0;
	s0 =	rddreg [dreg:$0x3]  }
0xf4: {  	s0 =	sadd.s32 @!p0 $0x100000, s0  }
0xf5: {  	[sflag:s0] =	ssyncadd.tile.s32 @!p0 $0x1;
	_ =	shalt  }
.Lfunc_end2:
_tile_overlayer_lowered:
.L_overlay_start_2:
0xf6: {  	(tag) =	ssettag $0x2  }
0xf7: {  	s0 =	rddreg [dreg:$0x0];
	s2 =	stileid.u32  }
0xf8: {  	s1 =	rddreg [dreg:$0x1];
	p0 =	sne.s32 s2, $0x0  }
0xf9: {  	s3 =	rddreg [dreg:$0x2];
	[bflag:$0x3] =	sbarrier.arrive $0xFFFF;
	s2 =	simm.s32 @!p0 $0x1C03  }
0xfa: {  	[timem:s3], [sflag:s2] =	dma.local @!p0 [hbm:s0], s1  }
0xfb: {  	s0 =	simm.s32 @!p0 $0x3  }
0xfc: {  	_ =	swait.ge @!p0 [sflag:s0], s1  }
0xfd: {  	s1 =	ssub.s32 @!p0 $0x0, s1;
	[sflag:s0] =	ssyncset.done @!p0 $0x0  }
0xfe: {  	[sflag:s0] =	ssyncadd.s32 @!p0 s1  }
0xff: {  	[bflag:$0x3] =	sbarrier.arrive $0xFFFF  }
0x100: {  	_ =	shalt  }

</sc_bundles>
